<compile_context>
chip_gen: v7x
topology: tpu7x:2x2x1
jax: 0.10.2.dev20260603
libtpu: 0.0.44.dev20260713+nightly
codegen_flags: <defaults>
</compile_context>

<pallas_src>
import jax
import jax.numpy as jnp
from jax import lax
from jax.experimental import pallas as pl
from jax.experimental.pallas import tpu as pltpu
from jax.experimental.pallas import tpu_sc as plsc

NUM_ROWS = 100000
DIM = 64

NC = 2
NS = 16
NW = NC * NS

CHUNK = 128

RING = 10


def _make_kernel(total):
    per_w = total // NW
    n_chunks = per_w // CHUNK
    assert (n_chunks - RING) % RING == 0

    mesh = plsc.VectorSubcoreMesh(core_axis_name="c", subcore_axis_name="s")

    @pl.kernel(
        out_type=jax.ShapeDtypeStruct((total, DIM), jnp.float32),
        mesh=mesh,
        scratch_types=[
            pltpu.VMEM((n_chunks, CHUNK), jnp.int32),
            pltpu.VMEM((RING, CHUNK, DIM), jnp.float32),
        ]
        + [pltpu.SemaphoreType.DMA] * (2 * RING),
        compiler_params=pltpu.CompilerParams(use_tc_tiling_on_sc=False),
    )
    def k(table_hbm, idx_hbm, out_hbm, idx_v, bufs, *sems):
        gsem = sems[:RING]
        osem = sems[RING:]
        wid = lax.axis_index("s") * NC + lax.axis_index("c")
        base_chunk = wid * n_chunks
        pltpu.sync_copy(idx_hbm.at[pl.ds(base_chunk, n_chunks)], idx_v)

        def fire_gather(j, slot):
            pltpu.async_copy(table_hbm.at[idx_v.at[j]], bufs.at[slot],
                             gsem[slot])

        def wait_gather(slot):
            pltpu.make_async_copy(
                table_hbm.at[idx_v.at[0]], bufs.at[slot], gsem[slot]
            ).wait()

        def fire_out(j, slot):
            pltpu.async_copy(
                bufs.at[slot],
                out_hbm.at[pl.ds((base_chunk + j) * CHUNK, CHUNK)],
                osem[slot],
            )

        def wait_out(slot):
            pltpu.make_async_copy(
                bufs.at[slot],
                out_hbm.at[pl.ds(base_chunk * CHUNK, CHUNK)],
                osem[slot],
            ).wait()

        for t in range(RING - 1):
            fire_gather(t, t)
        wait_gather(0)
        fire_out(0, 0)
        fire_gather(RING - 1, RING - 1)

        @pl.loop(0, (n_chunks - RING) // RING)
        def _(g):
            for b in range(RING):
                i = 1 + g * RING + b
                slot = (1 + b) % RING
                prev = b
                wait_gather(slot)
                fire_out(i, slot)
                wait_out(prev)
                fire_gather(i + RING - 1, prev)

        for t in range(n_chunks - RING + 1, n_chunks):
            slot = t % RING
            wait_gather(slot)
            fire_out(t, slot)
        for b in range(RING):
            wait_out(b)

    return k


def kernel(inputs, table):
    b, s = inputs.shape
    total = b * s
    idx2d = inputs.reshape(total // CHUNK, CHUNK).astype(jnp.int32)
    out = _make_kernel(total)(table, idx2d)
    return out.reshape(b, s, DIM)

# --- scband reference (transcript-rebuilt; emitter-appended) ---
"""Pipeline reference for scband-embedding-packable-33079838114357 (READ-ONLY COPY).

The authoritative reference and input builder live on the scoring server;
editing this copy changes nothing except your own understanding.
"""

import jax, jax.numpy as jnp
import numpy as np

NUM_EMBEDDINGS = 100000
EMBED_DIM = 64

def setup_inputs(seed: int = 0) -> dict:
    key = jax.random.key(seed)
    k_idx, k_tab = jax.random.split(key)
    inputs = jax.random.randint(k_idx, (4096, 200), 0, NUM_EMBEDDINGS, dtype=jnp.int64 if jax.config.jax_enable_x64 else jnp.int32)
    table = jax.random.normal(k_tab, (NUM_EMBEDDINGS, EMBED_DIM), dtype=jnp.float32)
    return {"inputs": inputs, "table": table}

def reference(inputs, table):
    # EmbeddingPackable with a plain (non-packed) index tensor simply applies
    # the wrapped embedding layer: a row-gather from the embedding table.
    return jnp.take(table, inputs, axis=0)

if __name__ == "__main__":
    import jax
    _d = setup_inputs()
    print(jax.jit(kernel)(*tuple(_d.values())))

</pallas_src>

<mosaic_0001>
#map = affine_map<(d0, d1) -> (0, 0)>
module attributes {stable_mosaic.version = 14 : i64} {
  func.func @k(%arg0: i32, %arg1: i32, %arg2: memref<100000x64xf32, #tpu.memory_space<hbm>>, %arg3: memref<6400x128xi32, #tpu.memory_space<hbm>>, %arg4: memref<819200x64xf32, #tpu.memory_space<hbm>>, %arg5: memref<200x128xi32, #tpu.memory_space<vmem>>, %arg6: memref<10x128x64xf32, #tpu.memory_space<vmem>>, %arg7: memref<!tpu.dma_semaphore, #tpu.memory_space<semaphore_mem>>, %arg8: memref<!tpu.dma_semaphore, #tpu.memory_space<semaphore_mem>>, %arg9: memref<!tpu.dma_semaphore, #tpu.memory_space<semaphore_mem>>, %arg10: memref<!tpu.dma_semaphore, #tpu.memory_space<semaphore_mem>>, %arg11: memref<!tpu.dma_semaphore, #tpu.memory_space<semaphore_mem>>, %arg12: memref<!tpu.dma_semaphore, #tpu.memory_space<semaphore_mem>>, %arg13: memref<!tpu.dma_semaphore, #tpu.memory_space<semaphore_mem>>, %arg14: memref<!tpu.dma_semaphore, #tpu.memory_space<semaphore_mem>>, %arg15: memref<!tpu.dma_semaphore, #tpu.memory_space<semaphore_mem>>, %arg16: memref<!tpu.dma_semaphore, #tpu.memory_space<semaphore_mem>>, %arg17: memref<!tpu.dma_semaphore, #tpu.memory_space<semaphore_mem>>, %arg18: memref<!tpu.dma_semaphore, #tpu.memory_space<semaphore_mem>>, %arg19: memref<!tpu.dma_semaphore, #tpu.memory_space<semaphore_mem>>, %arg20: memref<!tpu.dma_semaphore, #tpu.memory_space<semaphore_mem>>, %arg21: memref<!tpu.dma_semaphore, #tpu.memory_space<semaphore_mem>>, %arg22: memref<!tpu.dma_semaphore, #tpu.memory_space<semaphore_mem>>, %arg23: memref<!tpu.dma_semaphore, #tpu.memory_space<semaphore_mem>>, %arg24: memref<!tpu.dma_semaphore, #tpu.memory_space<semaphore_mem>>, %arg25: memref<!tpu.dma_semaphore, #tpu.memory_space<semaphore_mem>>, %arg26: memref<!tpu.dma_semaphore, #tpu.memory_space<semaphore_mem>>) attributes {dimension_semantics = [#tpu.dimension_semantics<core_parallel>, #tpu.dimension_semantics<subcore_parallel>], iteration_bounds = array<i64: 2, 16>, scalar_prefetch = 0 : i64, scratch_operands = 22 : i64, tpu.core_type = #tpu.core_type<sc_vector_subcore>, window_params = [{transform_indices = #map}, {transform_indices = #map}, {transform_indices = #map}]} {
    %mul3A = arith.constant 2 : i32
    %mul3A_0 = arith.muli %arg1, %mul3A : i32
    %add3A = arith.addi %mul3A_0, %arg0 : i32
    %mul3A_1 = arith.constant 200 : i32
    %mul3A_2 = arith.muli %add3A, %mul3A_1 : i32
    "tpu.region"() ({
      %run_scoped3A = tpu.sem_alloc : memref<!tpu.dma_semaphore, #tpu.memory_space<semaphore_mem>>
      %dma_start3A_565 = arith.constant 0 : i32
      %dma_start3A_566 = tpu.memref_slice %arg3[%mul3A_2, %dma_start3A_565] : memref<6400x128xi32, #tpu.memory_space<hbm>> -> memref<200x128xi32, #tpu.memory_space<hbm>>
      %dma_start3A_567 = arith.constant 0 : i32
      %dma_start3A_568 = tpu.memref_slice %arg3[%mul3A_2, %dma_start3A_567] : memref<6400x128xi32, #tpu.memory_space<hbm>> -> memref<200x128xi32, #tpu.memory_space<hbm>>
      tpu.enqueue_dma source(%dma_start3A_568 : memref<200x128xi32, #tpu.memory_space<hbm>>) target(%arg5 : memref<200x128xi32, #tpu.memory_space<vmem>>) target_semaphore(%run_scoped3A : memref<!tpu.dma_semaphore, #tpu.memory_space<semaphore_mem>>)
      %dma_wait3A_569 = arith.constant 0 : i32
      %dma_wait3A_570 = tpu.memref_slice %arg3[%mul3A_2, %dma_wait3A_569] : memref<6400x128xi32, #tpu.memory_space<hbm>> -> memref<200x128xi32, #tpu.memory_space<hbm>>
      %dma_wait3A_571 = arith.constant 0 : i32
      %dma_wait3A_572 = tpu.memref_slice %arg3[%mul3A_2, %dma_wait3A_571] : memref<6400x128xi32, #tpu.memory_space<hbm>> -> memref<200x128xi32, #tpu.memory_space<hbm>>
      tpu.wait_dma2 semaphore(%run_scoped3A : memref<!tpu.dma_semaphore, #tpu.memory_space<semaphore_mem>>) src(%dma_wait3A_572 : memref<200x128xi32, #tpu.memory_space<hbm>>) dst(%arg5 : memref<200x128xi32, #tpu.memory_space<vmem>>)
      tpu.yield
    }) : () -> ()
    %dma_start3A = arith.constant 0 : i32
    %dma_start3A_3 = arith.constant 0 : i32
    %dma_start3A_4 = arith.constant 0 : i32
    %dma_start3A_5 = arith.constant 0 : i32
    %dma_start3A_6 = tpu.memref_slice %arg6[%dma_start3A_3, %dma_start3A_4, %dma_start3A_5] : memref<10x128x64xf32, #tpu.memory_space<vmem>> -> memref<1x128x64xf32, #tpu.memory_space<vmem>>
    %dma_start3A_7 = tpu.memref_squeeze %dma_start3A_6 : memref<1x128x64xf32, #tpu.memory_space<vmem>> -> memref<128x64xf32, #tpu.memory_space<vmem>>
    %dma_start3A_8 = arith.constant 0 : i32
    %dma_start3A_9 = tpu.memref_slice %arg5[%dma_start3A, %dma_start3A_8] : memref<200x128xi32, #tpu.memory_space<vmem>> -> memref<1x128xi32, #tpu.memory_space<vmem>>
    %dma_start3A_10 = tpu.memref_squeeze %dma_start3A_9 : memref<1x128xi32, #tpu.memory_space<vmem>> -> memref<128xi32, #tpu.memory_space<vmem>>
    %dma_start3A_11 = arith.constant 0 : i32
    %dma_start3A_12 = arith.constant 0 : i32
    %dma_start3A_13 = tpu.memref_slice %arg2[%dma_start3A_11, %dma_start3A_12] : memref<100000x64xf32, #tpu.memory_space<hbm>> -> memref<100000x64xf32, #tpu.memory_space<hbm>>
    tpu.enqueue_indirect_dma source(%dma_start3A_13 : memref<100000x64xf32, #tpu.memory_space<hbm>>) target(%dma_start3A_7 : memref<128x64xf32, #tpu.memory_space<vmem>>) offsets(%dma_start3A_10 : memref<128xi32, #tpu.memory_space<vmem>>) semaphore(%arg7 : memref<!tpu.dma_semaphore, #tpu.memory_space<semaphore_mem>>)
    %dma_start3A_14 = arith.constant 1 : i32
    %dma_start3A_15 = arith.constant 1 : i32
    %dma_start3A_16 = arith.constant 0 : i32
    %dma_start3A_17 = arith.constant 0 : i32
    %dma_start3A_18 = tpu.memref_slice %arg6[%dma_start3A_15, %dma_start3A_16, %dma_start3A_17] : memref<10x128x64xf32, #tpu.memory_space<vmem>> -> memref<1x128x64xf32, #tpu.memory_space<vmem>>
    %dma_start3A_19 = tpu.memref_squeeze %dma_start3A_18 : memref<1x128x64xf32, #tpu.memory_space<vmem>> -> memref<128x64xf32, #tpu.memory_space<vmem>>
    %dma_start3A_20 = arith.constant 0 : i32
    %dma_start3A_21 = tpu.memref_slice %arg5[%dma_start3A_14, %dma_start3A_20] : memref<200x128xi32, #tpu.memory_space<vmem>> -> memref<1x128xi32, #tpu.memory_space<vmem>>
    %dma_start3A_22 = tpu.memref_squeeze %dma_start3A_21 : memref<1x128xi32, #tpu.memory_space<vmem>> -> memref<128xi32, #tpu.memory_space<vmem>>
    %dma_start3A_23 = arith.constant 0 : i32
    %dma_start3A_24 = arith.constant 0 : i32
    %dma_start3A_25 = tpu.memref_slice %arg2[%dma_start3A_23, %dma_start3A_24] : memref<100000x64xf32, #tpu.memory_space<hbm>> -> memref<100000x64xf32, #tpu.memory_space<hbm>>
    tpu.enqueue_indirect_dma source(%dma_start3A_25 : memref<100000x64xf32, #tpu.memory_space<hbm>>) target(%dma_start3A_19 : memref<128x64xf32, #tpu.memory_space<vmem>>) offsets(%dma_start3A_22 : memref<128xi32, #tpu.memory_space<vmem>>) semaphore(%arg8 : memref<!tpu.dma_semaphore, #tpu.memory_space<semaphore_mem>>)
    %dma_start3A_26 = arith.constant 2 : i32
    %dma_start3A_27 = arith.constant 2 : i32
    %dma_start3A_28 = arith.constant 0 : i32
    %dma_start3A_29 = arith.constant 0 : i32
    %dma_start3A_30 = tpu.memref_slice %arg6[%dma_start3A_27, %dma_start3A_28, %dma_start3A_29] : memref<10x128x64xf32, #tpu.memory_space<vmem>> -> memref<1x128x64xf32, #tpu.memory_space<vmem>>
    %dma_start3A_31 = tpu.memref_squeeze %dma_start3A_30 : memref<1x128x64xf32, #tpu.memory_space<vmem>> -> memref<128x64xf32, #tpu.memory_space<vmem>>
    %dma_start3A_32 = arith.constant 0 : i32
    %dma_start3A_33 = tpu.memref_slice %arg5[%dma_start3A_26, %dma_start3A_32] : memref<200x128xi32, #tpu.memory_space<vmem>> -> memref<1x128xi32, #tpu.memory_space<vmem>>
    %dma_start3A_34 = tpu.memref_squeeze %dma_start3A_33 : memref<1x128xi32, #tpu.memory_space<vmem>> -> memref<128xi32, #tpu.memory_space<vmem>>
    %dma_start3A_35 = arith.constant 0 : i32
    %dma_start3A_36 = arith.constant 0 : i32
    %dma_start3A_37 = tpu.memref_slice %arg2[%dma_start3A_35, %dma_start3A_36] : memref<100000x64xf32, #tpu.memory_space<hbm>> -> memref<100000x64xf32, #tpu.memory_space<hbm>>
    tpu.enqueue_indirect_dma source(%dma_start3A_37 : memref<100000x64xf32, #tpu.memory_space<hbm>>) target(%dma_start3A_31 : memref<128x64xf32, #tpu.memory_space<vmem>>) offsets(%dma_start3A_34 : memref<128xi32, #tpu.memory_space<vmem>>) semaphore(%arg9 : memref<!tpu.dma_semaphore, #tpu.memory_space<semaphore_mem>>)
    %dma_start3A_38 = arith.constant 3 : i32
    %dma_start3A_39 = arith.constant 3 : i32
    %dma_start3A_40 = arith.constant 0 : i32
    %dma_start3A_41 = arith.constant 0 : i32
    %dma_start3A_42 = tpu.memref_slice %arg6[%dma_start3A_39, %dma_start3A_40, %dma_start3A_41] : memref<10x128x64xf32, #tpu.memory_space<vmem>> -> memref<1x128x64xf32, #tpu.memory_space<vmem>>
    %dma_start3A_43 = tpu.memref_squeeze %dma_start3A_42 : memref<1x128x64xf32, #tpu.memory_space<vmem>> -> memref<128x64xf32, #tpu.memory_space<vmem>>
    %dma_start3A_44 = arith.constant 0 : i32
    %dma_start3A_45 = tpu.memref_slice %arg5[%dma_start3A_38, %dma_start3A_44] : memref<200x128xi32, #tpu.memory_space<vmem>> -> memref<1x128xi32, #tpu.memory_space<vmem>>
    %dma_start3A_46 = tpu.memref_squeeze %dma_start3A_45 : memref<1x128xi32, #tpu.memory_space<vmem>> -> memref<128xi32, #tpu.memory_space<vmem>>
    %dma_start3A_47 = arith.constant 0 : i32
    %dma_start3A_48 = arith.constant 0 : i32
    %dma_start3A_49 = tpu.memref_slice %arg2[%dma_start3A_47, %dma_start3A_48] : memref<100000x64xf32, #tpu.memory_space<hbm>> -> memref<100000x64xf32, #tpu.memory_space<hbm>>
    tpu.enqueue_indirect_dma source(%dma_start3A_49 : memref<100000x64xf32, #tpu.memory_space<hbm>>) target(%dma_start3A_43 : memref<128x64xf32, #tpu.memory_space<vmem>>) offsets(%dma_start3A_46 : memref<128xi32, #tpu.memory_space<vmem>>) semaphore(%arg10 : memref<!tpu.dma_semaphore, #tpu.memory_space<semaphore_mem>>)
    %dma_start3A_50 = arith.constant 4 : i32
    %dma_start3A_51 = arith.constant 4 : i32
    %dma_start3A_52 = arith.constant 0 : i32
    %dma_start3A_53 = arith.constant 0 : i32
    %dma_start3A_54 = tpu.memref_slice %arg6[%dma_start3A_51, %dma_start3A_52, %dma_start3A_53] : memref<10x128x64xf32, #tpu.memory_space<vmem>> -> memref<1x128x64xf32, #tpu.memory_space<vmem>>
    %dma_start3A_55 = tpu.memref_squeeze %dma_start3A_54 : memref<1x128x64xf32, #tpu.memory_space<vmem>> -> memref<128x64xf32, #tpu.memory_space<vmem>>
    %dma_start3A_56 = arith.constant 0 : i32
    %dma_start3A_57 = tpu.memref_slice %arg5[%dma_start3A_50, %dma_start3A_56] : memref<200x128xi32, #tpu.memory_space<vmem>> -> memref<1x128xi32, #tpu.memory_space<vmem>>
    %dma_start3A_58 = tpu.memref_squeeze %dma_start3A_57 : memref<1x128xi32, #tpu.memory_space<vmem>> -> memref<128xi32, #tpu.memory_space<vmem>>
    %dma_start3A_59 = arith.constant 0 : i32
    %dma_start3A_60 = arith.constant 0 : i32
    %dma_start3A_61 = tpu.memref_slice %arg2[%dma_start3A_59, %dma_start3A_60] : memref<100000x64xf32, #tpu.memory_space<hbm>> -> memref<100000x64xf32, #tpu.memory_space<hbm>>
    tpu.enqueue_indirect_dma source(%dma_start3A_61 : memref<100000x64xf32, #tpu.memory_space<hbm>>) target(%dma_start3A_55 : memref<128x64xf32, #tpu.memory_space<vmem>>) offsets(%dma_start3A_58 : memref<128xi32, #tpu.memory_space<vmem>>) semaphore(%arg11 : memref<!tpu.dma_semaphore, #tpu.memory_space<semaphore_mem>>)
    %dma_start3A_62 = arith.constant 5 : i32
    %dma_start3A_63 = arith.constant 5 : i32
    %dma_start3A_64 = arith.constant 0 : i32
    %dma_start3A_65 = arith.constant 0 : i32
    %dma_start3A_66 = tpu.memref_slice %arg6[%dma_start3A_63, %dma_start3A_64, %dma_start3A_65] : memref<10x128x64xf32, #tpu.memory_space<vmem>> -> memref<1x128x64xf32, #tpu.memory_space<vmem>>
    %dma_start3A_67 = tpu.memref_squeeze %dma_start3A_66 : memref<1x128x64xf32, #tpu.memory_space<vmem>> -> memref<128x64xf32, #tpu.memory_space<vmem>>
    %dma_start3A_68 = arith.constant 0 : i32
    %dma_start3A_69 = tpu.memref_slice %arg5[%dma_start3A_62, %dma_start3A_68] : memref<200x128xi32, #tpu.memory_space<vmem>> -> memref<1x128xi32, #tpu.memory_space<vmem>>
    %dma_start3A_70 = tpu.memref_squeeze %dma_start3A_69 : memref<1x128xi32, #tpu.memory_space<vmem>> -> memref<128xi32, #tpu.memory_space<vmem>>
    %dma_start3A_71 = arith.constant 0 : i32
    %dma_start3A_72 = arith.constant 0 : i32
    %dma_start3A_73 = tpu.memref_slice %arg2[%dma_start3A_71, %dma_start3A_72] : memref<100000x64xf32, #tpu.memory_space<hbm>> -> memref<100000x64xf32, #tpu.memory_space<hbm>>
    tpu.enqueue_indirect_dma source(%dma_start3A_73 : memref<100000x64xf32, #tpu.memory_space<hbm>>) target(%dma_start3A_67 : memref<128x64xf32, #tpu.memory_space<vmem>>) offsets(%dma_start3A_70 : memref<128xi32, #tpu.memory_space<vmem>>) semaphore(%arg12 : memref<!tpu.dma_semaphore, #tpu.memory_space<semaphore_mem>>)
    %dma_start3A_74 = arith.constant 6 : i32
    %dma_start3A_75 = arith.constant 6 : i32
    %dma_start3A_76 = arith.constant 0 : i32
    %dma_start3A_77 = arith.constant 0 : i32
    %dma_start3A_78 = tpu.memref_slice %arg6[%dma_start3A_75, %dma_start3A_76, %dma_start3A_77] : memref<10x128x64xf32, #tpu.memory_space<vmem>> -> memref<1x128x64xf32, #tpu.memory_space<vmem>>
    %dma_start3A_79 = tpu.memref_squeeze %dma_start3A_78 : memref<1x128x64xf32, #tpu.memory_space<vmem>> -> memref<128x64xf32, #tpu.memory_space<vmem>>
    %dma_start3A_80 = arith.constant 0 : i32
    %dma_start3A_81 = tpu.memref_slice %arg5[%dma_start3A_74, %dma_start3A_80] : memref<200x128xi32, #tpu.memory_space<vmem>> -> memref<1x128xi32, #tpu.memory_space<vmem>>
    %dma_start3A_82 = tpu.memref_squeeze %dma_start3A_81 : memref<1x128xi32, #tpu.memory_space<vmem>> -> memref<128xi32, #tpu.memory_space<vmem>>
    %dma_start3A_83 = arith.constant 0 : i32
    %dma_start3A_84 = arith.constant 0 : i32
    %dma_start3A_85 = tpu.memref_slice %arg2[%dma_start3A_83, %dma_start3A_84] : memref<100000x64xf32, #tpu.memory_space<hbm>> -> memref<100000x64xf32, #tpu.memory_space<hbm>>
    tpu.enqueue_indirect_dma source(%dma_start3A_85 : memref<100000x64xf32, #tpu.memory_space<hbm>>) target(%dma_start3A_79 : memref<128x64xf32, #tpu.memory_space<vmem>>) offsets(%dma_start3A_82 : memref<128xi32, #tpu.memory_space<vmem>>) semaphore(%arg13 : memref<!tpu.dma_semaphore, #tpu.memory_space<semaphore_mem>>)
    %dma_start3A_86 = arith.constant 7 : i32
    %dma_start3A_87 = arith.constant 7 : i32
    %dma_start3A_88 = arith.constant 0 : i32
    %dma_start3A_89 = arith.constant 0 : i32
    %dma_start3A_90 = tpu.memref_slice %arg6[%dma_start3A_87, %dma_start3A_88, %dma_start3A_89] : memref<10x128x64xf32, #tpu.memory_space<vmem>> -> memref<1x128x64xf32, #tpu.memory_space<vmem>>
    %dma_start3A_91 = tpu.memref_squeeze %dma_start3A_90 : memref<1x128x64xf32, #tpu.memory_space<vmem>> -> memref<128x64xf32, #tpu.memory_space<vmem>>
    %dma_start3A_92 = arith.constant 0 : i32
    %dma_start3A_93 = tpu.memref_slice %arg5[%dma_start3A_86, %dma_start3A_92] : memref<200x128xi32, #tpu.memory_space<vmem>> -> memref<1x128xi32, #tpu.memory_space<vmem>>
    %dma_start3A_94 = tpu.memref_squeeze %dma_start3A_93 : memref<1x128xi32, #tpu.memory_space<vmem>> -> memref<128xi32, #tpu.memory_space<vmem>>
    %dma_start3A_95 = arith.constant 0 : i32
    %dma_start3A_96 = arith.constant 0 : i32
    %dma_start3A_97 = tpu.memref_slice %arg2[%dma_start3A_95, %dma_start3A_96] : memref<100000x64xf32, #tpu.memory_space<hbm>> -> memref<100000x64xf32, #tpu.memory_space<hbm>>
    tpu.enqueue_indirect_dma source(%dma_start3A_97 : memref<100000x64xf32, #tpu.memory_space<hbm>>) target(%dma_start3A_91 : memref<128x64xf32, #tpu.memory_space<vmem>>) offsets(%dma_start3A_94 : memref<128xi32, #tpu.memory_space<vmem>>) semaphore(%arg14 : memref<!tpu.dma_semaphore, #tpu.memory_space<semaphore_mem>>)
    %dma_start3A_98 = arith.constant 8 : i32
    %dma_start3A_99 = arith.constant 8 : i32
    %dma_start3A_100 = arith.constant 0 : i32
    %dma_start3A_101 = arith.constant 0 : i32
    %dma_start3A_102 = tpu.memref_slice %arg6[%dma_start3A_99, %dma_start3A_100, %dma_start3A_101] : memref<10x128x64xf32, #tpu.memory_space<vmem>> -> memref<1x128x64xf32, #tpu.memory_space<vmem>>
    %dma_start3A_103 = tpu.memref_squeeze %dma_start3A_102 : memref<1x128x64xf32, #tpu.memory_space<vmem>> -> memref<128x64xf32, #tpu.memory_space<vmem>>
    %dma_start3A_104 = arith.constant 0 : i32
    %dma_start3A_105 = tpu.memref_slice %arg5[%dma_start3A_98, %dma_start3A_104] : memref<200x128xi32, #tpu.memory_space<vmem>> -> memref<1x128xi32, #tpu.memory_space<vmem>>
    %dma_start3A_106 = tpu.memref_squeeze %dma_start3A_105 : memref<1x128xi32, #tpu.memory_space<vmem>> -> memref<128xi32, #tpu.memory_space<vmem>>
    %dma_start3A_107 = arith.constant 0 : i32
    %dma_start3A_108 = arith.constant 0 : i32
    %dma_start3A_109 = tpu.memref_slice %arg2[%dma_start3A_107, %dma_start3A_108] : memref<100000x64xf32, #tpu.memory_space<hbm>> -> memref<100000x64xf32, #tpu.memory_space<hbm>>
    tpu.enqueue_indirect_dma source(%dma_start3A_109 : memref<100000x64xf32, #tpu.memory_space<hbm>>) target(%dma_start3A_103 : memref<128x64xf32, #tpu.memory_space<vmem>>) offsets(%dma_start3A_106 : memref<128xi32, #tpu.memory_space<vmem>>) semaphore(%arg15 : memref<!tpu.dma_semaphore, #tpu.memory_space<semaphore_mem>>)
    %dma_wait3A = arith.constant 0 : i32
    %dma_wait3A_110 = arith.constant 0 : i32
    %dma_wait3A_111 = arith.constant 0 : i32
    %dma_wait3A_112 = arith.constant 0 : i32
    %dma_wait3A_113 = tpu.memref_slice %arg6[%dma_wait3A_110, %dma_wait3A_111, %dma_wait3A_112] : memref<10x128x64xf32, #tpu.memory_space<vmem>> -> memref<1x128x64xf32, #tpu.memory_space<vmem>>
    %dma_wait3A_114 = tpu.memref_squeeze %dma_wait3A_113 : memref<1x128x64xf32, #tpu.memory_space<vmem>> -> memref<128x64xf32, #tpu.memory_space<vmem>>
    %dma_wait3A_115 = arith.constant 0 : i32
    %dma_wait3A_116 = tpu.memref_slice %arg5[%dma_wait3A, %dma_wait3A_115] : memref<200x128xi32, #tpu.memory_space<vmem>> -> memref<1x128xi32, #tpu.memory_space<vmem>>
    %dma_wait3A_117 = tpu.memref_squeeze %dma_wait3A_116 : memref<1x128xi32, #tpu.memory_space<vmem>> -> memref<128xi32, #tpu.memory_space<vmem>>
    %dma_wait3A_118 = arith.constant 0 : i32
    %dma_wait3A_119 = arith.constant 0 : i32
    %dma_wait3A_120 = tpu.memref_slice %arg2[%dma_wait3A_118, %dma_wait3A_119] : memref<100000x64xf32, #tpu.memory_space<hbm>> -> memref<100000x64xf32, #tpu.memory_space<hbm>>
    tpu.wait_indirect_dma semaphore(%arg7 : memref<!tpu.dma_semaphore, #tpu.memory_space<semaphore_mem>>) src(%dma_wait3A_120 : memref<100000x64xf32, #tpu.memory_space<hbm>>) dst(%dma_wait3A_114 : memref<128x64xf32, #tpu.memory_space<vmem>>)
    %add3A_121 = arith.constant 0 : i32
    %add3A_122 = arith.addi %mul3A_2, %add3A_121 : i32
    %mul3A_123 = arith.constant 128 : i32
    %mul3A_124 = arith.muli %add3A_122, %mul3A_123 : i32
    %dma_start3A_125 = arith.constant 0 : i32
    %dma_start3A_126 = arith.constant 0 : i32
    %dma_start3A_127 = arith.constant 0 : i32
    %dma_start3A_128 = tpu.memref_slice %arg6[%dma_start3A_125, %dma_start3A_126, %dma_start3A_127] : memref<10x128x64xf32, #tpu.memory_space<vmem>> -> memref<1x128x64xf32, #tpu.memory_space<vmem>>
    %dma_start3A_129 = tpu.memref_squeeze %dma_start3A_128 : memref<1x128x64xf32, #tpu.memory_space<vmem>> -> memref<128x64xf32, #tpu.memory_space<vmem>>
    %dma_start3A_130 = arith.constant 0 : i32
    %dma_start3A_131 = tpu.memref_slice %arg4[%mul3A_124, %dma_start3A_130] : memref<819200x64xf32, #tpu.memory_space<hbm>> -> memref<128x64xf32, #tpu.memory_space<hbm>>
    %dma_start3A_132 = arith.constant 0 : i32
    %dma_start3A_133 = tpu.memref_slice %arg4[%mul3A_124, %dma_start3A_132] : memref<819200x64xf32, #tpu.memory_space<hbm>> -> memref<128x64xf32, #tpu.memory_space<hbm>>
    %dma_start3A_134 = arith.constant 0 : i32
    %dma_start3A_135 = arith.constant 0 : i32
    %dma_start3A_136 = tpu.memref_slice %arg6[%dma_start3A_125, %dma_start3A_134, %dma_start3A_135] : memref<10x128x64xf32, #tpu.memory_space<vmem>> -> memref<1x128x64xf32, #tpu.memory_space<vmem>>
    %dma_start3A_137 = tpu.memref_squeeze %dma_start3A_136 : memref<1x128x64xf32, #tpu.memory_space<vmem>> -> memref<128x64xf32, #tpu.memory_space<vmem>>
    tpu.enqueue_dma source(%dma_start3A_137 : memref<128x64xf32, #tpu.memory_space<vmem>>) target(%dma_start3A_133 : memref<128x64xf32, #tpu.memory_space<hbm>>) target_semaphore(%arg17 : memref<!tpu.dma_semaphore, #tpu.memory_space<semaphore_mem>>)
    %dma_start3A_138 = arith.constant 9 : i32
    %dma_start3A_139 = arith.constant 9 : i32
    %dma_start3A_140 = arith.constant 0 : i32
    %dma_start3A_141 = arith.constant 0 : i32
    %dma_start3A_142 = tpu.memref_slice %arg6[%dma_start3A_139, %dma_start3A_140, %dma_start3A_141] : memref<10x128x64xf32, #tpu.memory_space<vmem>> -> memref<1x128x64xf32, #tpu.memory_space<vmem>>
    %dma_start3A_143 = tpu.memref_squeeze %dma_start3A_142 : memref<1x128x64xf32, #tpu.memory_space<vmem>> -> memref<128x64xf32, #tpu.memory_space<vmem>>
    %dma_start3A_144 = arith.constant 0 : i32
    %dma_start3A_145 = tpu.memref_slice %arg5[%dma_start3A_138, %dma_start3A_144] : memref<200x128xi32, #tpu.memory_space<vmem>> -> memref<1x128xi32, #tpu.memory_space<vmem>>
    %dma_start3A_146 = tpu.memref_squeeze %dma_start3A_145 : memref<1x128xi32, #tpu.memory_space<vmem>> -> memref<128xi32, #tpu.memory_space<vmem>>
    %dma_start3A_147 = arith.constant 0 : i32
    %dma_start3A_148 = arith.constant 0 : i32
    %dma_start3A_149 = tpu.memref_slice %arg2[%dma_start3A_147, %dma_start3A_148] : memref<100000x64xf32, #tpu.memory_space<hbm>> -> memref<100000x64xf32, #tpu.memory_space<hbm>>
    tpu.enqueue_indirect_dma source(%dma_start3A_149 : memref<100000x64xf32, #tpu.memory_space<hbm>>) target(%dma_start3A_143 : memref<128x64xf32, #tpu.memory_space<vmem>>) offsets(%dma_start3A_146 : memref<128xi32, #tpu.memory_space<vmem>>) semaphore(%arg16 : memref<!tpu.dma_semaphore, #tpu.memory_space<semaphore_mem>>)
    %scan3A = arith.constant 0 : i32
    %scan3A_150 = arith.constant 19 : i32
    %scan3A_151 = arith.addi %scan3A, %scan3A_150 : i32
    %scan3A_152 = arith.constant 1 : i32
    scf.for %scan3A_565 = %scan3A to %scan3A_151 step %scan3A_152  : i32 {
      %mul3A_566 = arith.constant 1 : i32
      %mul3A_567 = arith.muli %scan3A_565, %mul3A_566 : i32
      %add3A_568 = arith.constant 0 : i32
      %add3A_569 = arith.addi %add3A_568, %mul3A_567 : i32
      %mul3A_570 = arith.constant 10 : i32
      %mul3A_571 = arith.muli %add3A_569, %mul3A_570 : i32
      %add3A_572 = arith.constant 1 : i32
      %add3A_573 = arith.addi %add3A_572, %mul3A_571 : i32
      %add3A_574 = arith.constant 0 : i32
      %add3A_575 = arith.addi %add3A_573, %add3A_574 : i32
      %dma_wait3A_576 = arith.constant 0 : i32
      %dma_wait3A_577 = arith.constant 1 : i32
      %dma_wait3A_578 = arith.constant 0 : i32
      %dma_wait3A_579 = arith.constant 0 : i32
      %dma_wait3A_580 = tpu.memref_slice %arg6[%dma_wait3A_577, %dma_wait3A_578, %dma_wait3A_579] : memref<10x128x64xf32, #tpu.memory_space<vmem>> -> memref<1x128x64xf32, #tpu.memory_space<vmem>>
      %dma_wait3A_581 = tpu.memref_squeeze %dma_wait3A_580 : memref<1x128x64xf32, #tpu.memory_space<vmem>> -> memref<128x64xf32, #tpu.memory_space<vmem>>
      %dma_wait3A_582 = arith.constant 0 : i32
      %dma_wait3A_583 = tpu.memref_slice %arg5[%dma_wait3A_576, %dma_wait3A_582] : memref<200x128xi32, #tpu.memory_space<vmem>> -> memref<1x128xi32, #tpu.memory_space<vmem>>
      %dma_wait3A_584 = tpu.memref_squeeze %dma_wait3A_583 : memref<1x128xi32, #tpu.memory_space<vmem>> -> memref<128xi32, #tpu.memory_space<vmem>>
      %dma_wait3A_585 = arith.constant 0 : i32
      %dma_wait3A_586 = arith.constant 0 : i32
      %dma_wait3A_587 = tpu.memref_slice %arg2[%dma_wait3A_585, %dma_wait3A_586] : memref<100000x64xf32, #tpu.memory_space<hbm>> -> memref<100000x64xf32, #tpu.memory_space<hbm>>
      tpu.wait_indirect_dma semaphore(%arg8 : memref<!tpu.dma_semaphore, #tpu.memory_space<semaphore_mem>>) src(%dma_wait3A_587 : memref<100000x64xf32, #tpu.memory_space<hbm>>) dst(%dma_wait3A_581 : memref<128x64xf32, #tpu.memory_space<vmem>>)
      %add3A_588 = arith.addi %mul3A_2, %add3A_575 : i32
      %mul3A_589 = arith.constant 128 : i32
      %mul3A_590 = arith.muli %add3A_588, %mul3A_589 : i32
      %dma_start3A_591 = arith.constant 1 : i32
      %dma_start3A_592 = arith.constant 0 : i32
      %dma_start3A_593 = arith.constant 0 : i32
      %dma_start3A_594 = tpu.memref_slice %arg6[%dma_start3A_591, %dma_start3A_592, %dma_start3A_593] : memref<10x128x64xf32, #tpu.memory_space<vmem>> -> memref<1x128x64xf32, #tpu.memory_space<vmem>>
      %dma_start3A_595 = tpu.memref_squeeze %dma_start3A_594 : memref<1x128x64xf32, #tpu.memory_space<vmem>> -> memref<128x64xf32, #tpu.memory_space<vmem>>
      %dma_start3A_596 = arith.constant 0 : i32
      %dma_start3A_597 = tpu.memref_slice %arg4[%mul3A_590, %dma_start3A_596] : memref<819200x64xf32, #tpu.memory_space<hbm>> -> memref<128x64xf32, #tpu.memory_space<hbm>>
      %dma_start3A_598 = arith.constant 0 : i32
      %dma_start3A_599 = tpu.memref_slice %arg4[%mul3A_590, %dma_start3A_598] : memref<819200x64xf32, #tpu.memory_space<hbm>> -> memref<128x64xf32, #tpu.memory_space<hbm>>
      %dma_start3A_600 = arith.constant 0 : i32
      %dma_start3A_601 = arith.constant 0 : i32
      %dma_start3A_602 = tpu.memref_slice %arg6[%dma_start3A_591, %dma_start3A_600, %dma_start3A_601] : memref<10x128x64xf32, #tpu.memory_space<vmem>> -> memref<1x128x64xf32, #tpu.memory_space<vmem>>
      %dma_start3A_603 = tpu.memref_squeeze %dma_start3A_602 : memref<1x128x64xf32, #tpu.memory_space<vmem>> -> memref<128x64xf32, #tpu.memory_space<vmem>>
      tpu.enqueue_dma source(%dma_start3A_603 : memref<128x64xf32, #tpu.memory_space<vmem>>) target(%dma_start3A_599 : memref<128x64xf32, #tpu.memory_space<hbm>>) target_semaphore(%arg18 : memref<!tpu.dma_semaphore, #tpu.memory_space<semaphore_mem>>)
      %mul3A_604 = arith.constant 128 : i32
      %mul3A_605 = arith.muli %mul3A_2, %mul3A_604 : i32
      %dma_wait3A_606 = arith.constant 0 : i32
      %dma_wait3A_607 = arith.constant 0 : i32
      %dma_wait3A_608 = arith.constant 0 : i32
      %dma_wait3A_609 = tpu.memref_slice %arg6[%dma_wait3A_606, %dma_wait3A_607, %dma_wait3A_608] : memref<10x128x64xf32, #tpu.memory_space<vmem>> -> memref<1x128x64xf32, #tpu.memory_space<vmem>>
      %dma_wait3A_610 = tpu.memref_squeeze %dma_wait3A_609 : memref<1x128x64xf32, #tpu.memory_space<vmem>> -> memref<128x64xf32, #tpu.memory_space<vmem>>
      %dma_wait3A_611 = arith.constant 0 : i32
      %dma_wait3A_612 = tpu.memref_slice %arg4[%mul3A_605, %dma_wait3A_611] : memref<819200x64xf32, #tpu.memory_space<hbm>> -> memref<128x64xf32, #tpu.memory_space<hbm>>
      %dma_wait3A_613 = arith.constant 0 : i32
      %dma_wait3A_614 = tpu.memref_slice %arg4[%mul3A_605, %dma_wait3A_613] : memref<819200x64xf32, #tpu.memory_space<hbm>> -> memref<128x64xf32, #tpu.memory_space<hbm>>
      %dma_wait3A_615 = arith.constant 0 : i32
      %dma_wait3A_616 = arith.constant 0 : i32
      %dma_wait3A_617 = tpu.memref_slice %arg6[%dma_wait3A_606, %dma_wait3A_615, %dma_wait3A_616] : memref<10x128x64xf32, #tpu.memory_space<vmem>> -> memref<1x128x64xf32, #tpu.memory_space<vmem>>
      %dma_wait3A_618 = tpu.memref_squeeze %dma_wait3A_617 : memref<1x128x64xf32, #tpu.memory_space<vmem>> -> memref<128x64xf32, #tpu.memory_space<vmem>>
      tpu.wait_dma2 semaphore(%arg17 : memref<!tpu.dma_semaphore, #tpu.memory_space<semaphore_mem>>) src(%dma_wait3A_618 : memref<128x64xf32, #tpu.memory_space<vmem>>) dst(%dma_wait3A_614 : memref<128x64xf32, #tpu.memory_space<hbm>>)
      %add3A_619 = arith.constant 10 : i32
      %add3A_620 = arith.addi %add3A_575, %add3A_619 : i32
      %sub3A = arith.constant 1 : i32
      %sub3A_621 = arith.subi %add3A_620, %sub3A : i32
      %dma_start3A_622 = arith.constant 0 : i32
      %dma_start3A_623 = arith.constant 0 : i32
      %dma_start3A_624 = arith.constant 0 : i32
      %dma_start3A_625 = tpu.memref_slice %arg6[%dma_start3A_622, %dma_start3A_623, %dma_start3A_624] : memref<10x128x64xf32, #tpu.memory_space<vmem>> -> memref<1x128x64xf32, #tpu.memory_space<vmem>>
      %dma_start3A_626 = tpu.memref_squeeze %dma_start3A_625 : memref<1x128x64xf32, #tpu.memory_space<vmem>> -> memref<128x64xf32, #tpu.memory_space<vmem>>
      %dma_start3A_627 = arith.constant 0 : i32
      %dma_start3A_628 = tpu.memref_slice %arg5[%sub3A_621, %dma_start3A_627] : memref<200x128xi32, #tpu.memory_space<vmem>> -> memref<1x128xi32, #tpu.memory_space<vmem>>
      %dma_start3A_629 = tpu.memref_squeeze %dma_start3A_628 : memref<1x128xi32, #tpu.memory_space<vmem>> -> memref<128xi32, #tpu.memory_space<vmem>>
      %dma_start3A_630 = arith.constant 0 : i32
      %dma_start3A_631 = arith.constant 0 : i32
      %dma_start3A_632 = tpu.memref_slice %arg2[%dma_start3A_630, %dma_start3A_631] : memref<100000x64xf32, #tpu.memory_space<hbm>> -> memref<100000x64xf32, #tpu.memory_space<hbm>>
      tpu.enqueue_indirect_dma source(%dma_start3A_632 : memref<100000x64xf32, #tpu.memory_space<hbm>>) target(%dma_start3A_626 : memref<128x64xf32, #tpu.memory_space<vmem>>) offsets(%dma_start3A_629 : memref<128xi32, #tpu.memory_space<vmem>>) semaphore(%arg7 : memref<!tpu.dma_semaphore, #tpu.memory_space<semaphore_mem>>)
      %mul3A_633 = arith.constant 10 : i32
      %mul3A_634 = arith.muli %add3A_569, %mul3A_633 : i32
      %add3A_635 = arith.constant 1 : i32
      %add3A_636 = arith.addi %add3A_635, %mul3A_634 : i32
      %add3A_637 = arith.constant 1 : i32
      %add3A_638 = arith.addi %add3A_636, %add3A_637 : i32
      %dma_wait3A_639 = arith.constant 0 : i32
      %dma_wait3A_640 = arith.constant 2 : i32
      %dma_wait3A_641 = arith.constant 0 : i32
      %dma_wait3A_642 = arith.constant 0 : i32
      %dma_wait3A_643 = tpu.memref_slice %arg6[%dma_wait3A_640, %dma_wait3A_641, %dma_wait3A_642] : memref<10x128x64xf32, #tpu.memory_space<vmem>> -> memref<1x128x64xf32, #tpu.memory_space<vmem>>
      %dma_wait3A_644 = tpu.memref_squeeze %dma_wait3A_643 : memref<1x128x64xf32, #tpu.memory_space<vmem>> -> memref<128x64xf32, #tpu.memory_space<vmem>>
      %dma_wait3A_645 = arith.constant 0 : i32
      %dma_wait3A_646 = tpu.memref_slice %arg5[%dma_wait3A_639, %dma_wait3A_645] : memref<200x128xi32, #tpu.memory_space<vmem>> -> memref<1x128xi32, #tpu.memory_space<vmem>>
      %dma_wait3A_647 = tpu.memref_squeeze %dma_wait3A_646 : memref<1x128xi32, #tpu.memory_space<vmem>> -> memref<128xi32, #tpu.memory_space<vmem>>
      %dma_wait3A_648 = arith.constant 0 : i32
      %dma_wait3A_649 = arith.constant 0 : i32
      %dma_wait3A_650 = tpu.memref_slice %arg2[%dma_wait3A_648, %dma_wait3A_649] : memref<100000x64xf32, #tpu.memory_space<hbm>> -> memref<100000x64xf32, #tpu.memory_space<hbm>>
      tpu.wait_indirect_dma semaphore(%arg9 : memref<!tpu.dma_semaphore, #tpu.memory_space<semaphore_mem>>) src(%dma_wait3A_650 : memref<100000x64xf32, #tpu.memory_space<hbm>>) dst(%dma_wait3A_644 : memref<128x64xf32, #tpu.memory_space<vmem>>)
      %add3A_651 = arith.addi %mul3A_2, %add3A_638 : i32
      %mul3A_652 = arith.constant 128 : i32
      %mul3A_653 = arith.muli %add3A_651, %mul3A_652 : i32
      %dma_start3A_654 = arith.constant 2 : i32
      %dma_start3A_655 = arith.constant 0 : i32
      %dma_start3A_656 = arith.constant 0 : i32
      %dma_start3A_657 = tpu.memref_slice %arg6[%dma_start3A_654, %dma_start3A_655, %dma_start3A_656] : memref<10x128x64xf32, #tpu.memory_space<vmem>> -> memref<1x128x64xf32, #tpu.memory_space<vmem>>
      %dma_start3A_658 = tpu.memref_squeeze %dma_start3A_657 : memref<1x128x64xf32, #tpu.memory_space<vmem>> -> memref<128x64xf32, #tpu.memory_space<vmem>>
      %dma_start3A_659 = arith.constant 0 : i32
      %dma_start3A_660 = tpu.memref_slice %arg4[%mul3A_653, %dma_start3A_659] : memref<819200x64xf32, #tpu.memory_space<hbm>> -> memref<128x64xf32, #tpu.memory_space<hbm>>
      %dma_start3A_661 = arith.constant 0 : i32
      %dma_start3A_662 = tpu.memref_slice %arg4[%mul3A_653, %dma_start3A_661] : memref<819200x64xf32, #tpu.memory_space<hbm>> -> memref<128x64xf32, #tpu.memory_space<hbm>>
      %dma_start3A_663 = arith.constant 0 : i32
      %dma_start3A_664 = arith.constant 0 : i32
      %dma_start3A_665 = tpu.memref_slice %arg6[%dma_start3A_654, %dma_start3A_663, %dma_start3A_664] : memref<10x128x64xf32, #tpu.memory_space<vmem>> -> memref<1x128x64xf32, #tpu.memory_space<vmem>>
      %dma_start3A_666 = tpu.memref_squeeze %dma_start3A_665 : memref<1x128x64xf32, #tpu.memory_space<vmem>> -> memref<128x64xf32, #tpu.memory_space<vmem>>
      tpu.enqueue_dma source(%dma_start3A_666 : memref<128x64xf32, #tpu.memory_space<vmem>>) target(%dma_start3A_662 : memref<128x64xf32, #tpu.memory_space<hbm>>) target_semaphore(%arg19 : memref<!tpu.dma_semaphore, #tpu.memory_space<semaphore_mem>>)
      %mul3A_667 = arith.constant 128 : i32
      %mul3A_668 = arith.muli %mul3A_2, %mul3A_667 : i32
      %dma_wait3A_669 = arith.constant 1 : i32
      %dma_wait3A_670 = arith.constant 0 : i32
      %dma_wait3A_671 = arith.constant 0 : i32
      %dma_wait3A_672 = tpu.memref_slice %arg6[%dma_wait3A_669, %dma_wait3A_670, %dma_wait3A_671] : memref<10x128x64xf32, #tpu.memory_space<vmem>> -> memref<1x128x64xf32, #tpu.memory_space<vmem>>
      %dma_wait3A_673 = tpu.memref_squeeze %dma_wait3A_672 : memref<1x128x64xf32, #tpu.memory_space<vmem>> -> memref<128x64xf32, #tpu.memory_space<vmem>>
      %dma_wait3A_674 = arith.constant 0 : i32
      %dma_wait3A_675 = tpu.memref_slice %arg4[%mul3A_668, %dma_wait3A_674] : memref<819200x64xf32, #tpu.memory_space<hbm>> -> memref<128x64xf32, #tpu.memory_space<hbm>>
      %dma_wait3A_676 = arith.constant 0 : i32
      %dma_wait3A_677 = tpu.memref_slice %arg4[%mul3A_668, %dma_wait3A_676] : memref<819200x64xf32, #tpu.memory_space<hbm>> -> memref<128x64xf32, #tpu.memory_space<hbm>>
      %dma_wait3A_678 = arith.constant 0 : i32
      %dma_wait3A_679 = arith.constant 0 : i32
      %dma_wait3A_680 = tpu.memref_slice %arg6[%dma_wait3A_669, %dma_wait3A_678, %dma_wait3A_679] : memref<10x128x64xf32, #tpu.memory_space<vmem>> -> memref<1x128x64xf32, #tpu.memory_space<vmem>>
      %dma_wait3A_681 = tpu.memref_squeeze %dma_wait3A_680 : memref<1x128x64xf32, #tpu.memory_space<vmem>> -> memref<128x64xf32, #tpu.memory_space<vmem>>
      tpu.wait_dma2 semaphore(%arg18 : memref<!tpu.dma_semaphore, #tpu.memory_space<semaphore_mem>>) src(%dma_wait3A_681 : memref<128x64xf32, #tpu.memory_space<vmem>>) dst(%dma_wait3A_677 : memref<128x64xf32, #tpu.memory_space<hbm>>)
      %add3A_682 = arith.constant 10 : i32
      %add3A_683 = arith.addi %add3A_638, %add3A_682 : i32
      %sub3A_684 = arith.constant 1 : i32
      %sub3A_685 = arith.subi %add3A_683, %sub3A_684 : i32
      %dma_start3A_686 = arith.constant 1 : i32
      %dma_start3A_687 = arith.constant 0 : i32
      %dma_start3A_688 = arith.constant 0 : i32
      %dma_start3A_689 = tpu.memref_slice %arg6[%dma_start3A_686, %dma_start3A_687, %dma_start3A_688] : memref<10x128x64xf32, #tpu.memory_space<vmem>> -> memref<1x128x64xf32, #tpu.memory_space<vmem>>
      %dma_start3A_690 = tpu.memref_squeeze %dma_start3A_689 : memref<1x128x64xf32, #tpu.memory_space<vmem>> -> memref<128x64xf32, #tpu.memory_space<vmem>>
      %dma_start3A_691 = arith.constant 0 : i32
      %dma_start3A_692 = tpu.memref_slice %arg5[%sub3A_685, %dma_start3A_691] : memref<200x128xi32, #tpu.memory_space<vmem>> -> memref<1x128xi32, #tpu.memory_space<vmem>>
      %dma_start3A_693 = tpu.memref_squeeze %dma_start3A_692 : memref<1x128xi32, #tpu.memory_space<vmem>> -> memref<128xi32, #tpu.memory_space<vmem>>
      %dma_start3A_694 = arith.constant 0 : i32
      %dma_start3A_695 = arith.constant 0 : i32
      %dma_start3A_696 = tpu.memref_slice %arg2[%dma_start3A_694, %dma_start3A_695] : memref<100000x64xf32, #tpu.memory_space<hbm>> -> memref<100000x64xf32, #tpu.memory_space<hbm>>
      tpu.enqueue_indirect_dma source(%dma_start3A_696 : memref<100000x64xf32, #tpu.memory_space<hbm>>) target(%dma_start3A_690 : memref<128x64xf32, #tpu.memory_space<vmem>>) offsets(%dma_start3A_693 : memref<128xi32, #tpu.memory_space<vmem>>) semaphore(%arg8 : memref<!tpu.dma_semaphore, #tpu.memory_space<semaphore_mem>>)
      %mul3A_697 = arith.constant 10 : i32
      %mul3A_698 = arith.muli %add3A_569, %mul3A_697 : i32
      %add3A_699 = arith.constant 1 : i32
      %add3A_700 = arith.addi %add3A_699, %mul3A_698 : i32
      %add3A_701 = arith.constant 2 : i32
      %add3A_702 = arith.addi %add3A_700, %add3A_701 : i32
      %dma_wait3A_703 = arith.constant 0 : i32
      %dma_wait3A_704 = arith.constant 3 : i32
      %dma_wait3A_705 = arith.constant 0 : i32
      %dma_wait3A_706 = arith.constant 0 : i32
      %dma_wait3A_707 = tpu.memref_slice %arg6[%dma_wait3A_704, %dma_wait3A_705, %dma_wait3A_706] : memref<10x128x64xf32, #tpu.memory_space<vmem>> -> memref<1x128x64xf32, #tpu.memory_space<vmem>>
      %dma_wait3A_708 = tpu.memref_squeeze %dma_wait3A_707 : memref<1x128x64xf32, #tpu.memory_space<vmem>> -> memref<128x64xf32, #tpu.memory_space<vmem>>
      %dma_wait3A_709 = arith.constant 0 : i32
      %dma_wait3A_710 = tpu.memref_slice %arg5[%dma_wait3A_703, %dma_wait3A_709] : memref<200x128xi32, #tpu.memory_space<vmem>> -> memref<1x128xi32, #tpu.memory_space<vmem>>
      %dma_wait3A_711 = tpu.memref_squeeze %dma_wait3A_710 : memref<1x128xi32, #tpu.memory_space<vmem>> -> memref<128xi32, #tpu.memory_space<vmem>>
      %dma_wait3A_712 = arith.constant 0 : i32
      %dma_wait3A_713 = arith.constant 0 : i32
      %dma_wait3A_714 = tpu.memref_slice %arg2[%dma_wait3A_712, %dma_wait3A_713] : memref<100000x64xf32, #tpu.memory_space<hbm>> -> memref<100000x64xf32, #tpu.memory_space<hbm>>
      tpu.wait_indirect_dma semaphore(%arg10 : memref<!tpu.dma_semaphore, #tpu.memory_space<semaphore_mem>>) src(%dma_wait3A_714 : memref<100000x64xf32, #tpu.memory_space<hbm>>) dst(%dma_wait3A_708 : memref<128x64xf32, #tpu.memory_space<vmem>>)
      %add3A_715 = arith.addi %mul3A_2, %add3A_702 : i32
      %mul3A_716 = arith.constant 128 : i32
      %mul3A_717 = arith.muli %add3A_715, %mul3A_716 : i32
      %dma_start3A_718 = arith.constant 3 : i32
      %dma_start3A_719 = arith.constant 0 : i32
      %dma_start3A_720 = arith.constant 0 : i32
      %dma_start3A_721 = tpu.memref_slice %arg6[%dma_start3A_718, %dma_start3A_719, %dma_start3A_720] : memref<10x128x64xf32, #tpu.memory_space<vmem>> -> memref<1x128x64xf32, #tpu.memory_space<vmem>>
      %dma_start3A_722 = tpu.memref_squeeze %dma_start3A_721 : memref<1x128x64xf32, #tpu.memory_space<vmem>> -> memref<128x64xf32, #tpu.memory_space<vmem>>
      %dma_start3A_723 = arith.constant 0 : i32
      %dma_start3A_724 = tpu.memref_slice %arg4[%mul3A_717, %dma_start3A_723] : memref<819200x64xf32, #tpu.memory_space<hbm>> -> memref<128x64xf32, #tpu.memory_space<hbm>>
      %dma_start3A_725 = arith.constant 0 : i32
      %dma_start3A_726 = tpu.memref_slice %arg4[%mul3A_717, %dma_start3A_725] : memref<819200x64xf32, #tpu.memory_space<hbm>> -> memref<128x64xf32, #tpu.memory_space<hbm>>
      %dma_start3A_727 = arith.constant 0 : i32
      %dma_start3A_728 = arith.constant 0 : i32
      %dma_start3A_729 = tpu.memref_slice %arg6[%dma_start3A_718, %dma_start3A_727, %dma_start3A_728] : memref<10x128x64xf32, #tpu.memory_space<vmem>> -> memref<1x128x64xf32, #tpu.memory_space<vmem>>
      %dma_start3A_730 = tpu.memref_squeeze %dma_start3A_729 : memref<1x128x64xf32, #tpu.memory_space<vmem>> -> memref<128x64xf32, #tpu.memory_space<vmem>>
      tpu.enqueue_dma source(%dma_start3A_730 : memref<128x64xf32, #tpu.memory_space<vmem>>) target(%dma_start3A_726 : memref<128x64xf32, #tpu.memory_space<hbm>>) target_semaphore(%arg20 : memref<!tpu.dma_semaphore, #tpu.memory_space<semaphore_mem>>)
      %mul3A_731 = arith.constant 128 : i32
      %mul3A_732 = arith.muli %mul3A_2, %mul3A_731 : i32
      %dma_wait3A_733 = arith.constant 2 : i32
      %dma_wait3A_734 = arith.constant 0 : i32
      %dma_wait3A_735 = arith.constant 0 : i32
      %dma_wait3A_736 = tpu.memref_slice %arg6[%dma_wait3A_733, %dma_wait3A_734, %dma_wait3A_735] : memref<10x128x64xf32, #tpu.memory_space<vmem>> -> memref<1x128x64xf32, #tpu.memory_space<vmem>>
      %dma_wait3A_737 = tpu.memref_squeeze %dma_wait3A_736 : memref<1x128x64xf32, #tpu.memory_space<vmem>> -> memref<128x64xf32, #tpu.memory_space<vmem>>
      %dma_wait3A_738 = arith.constant 0 : i32
      %dma_wait3A_739 = tpu.memref_slice %arg4[%mul3A_732, %dma_wait3A_738] : memref<819200x64xf32, #tpu.memory_space<hbm>> -> memref<128x64xf32, #tpu.memory_space<hbm>>
      %dma_wait3A_740 = arith.constant 0 : i32
      %dma_wait3A_741 = tpu.memref_slice %arg4[%mul3A_732, %dma_wait3A_740] : memref<819200x64xf32, #tpu.memory_space<hbm>> -> memref<128x64xf32, #tpu.memory_space<hbm>>
      %dma_wait3A_742 = arith.constant 0 : i32
      %dma_wait3A_743 = arith.constant 0 : i32
      %dma_wait3A_744 = tpu.memref_slice %arg6[%dma_wait3A_733, %dma_wait3A_742, %dma_wait3A_743] : memref<10x128x64xf32, #tpu.memory_space<vmem>> -> memref<1x128x64xf32, #tpu.memory_space<vmem>>
      %dma_wait3A_745 = tpu.memref_squeeze %dma_wait3A_744 : memref<1x128x64xf32, #tpu.memory_space<vmem>> -> memref<128x64xf32, #tpu.memory_space<vmem>>
      tpu.wait_dma2 semaphore(%arg19 : memref<!tpu.dma_semaphore, #tpu.memory_space<semaphore_mem>>) src(%dma_wait3A_745 : memref<128x64xf32, #tpu.memory_space<vmem>>) dst(%dma_wait3A_741 : memref<128x64xf32, #tpu.memory_space<hbm>>)
      %add3A_746 = arith.constant 10 : i32
      %add3A_747 = arith.addi %add3A_702, %add3A_746 : i32
      %sub3A_748 = arith.constant 1 : i32
      %sub3A_749 = arith.subi %add3A_747, %sub3A_748 : i32
      %dma_start3A_750 = arith.constant 2 : i32
      %dma_start3A_751 = arith.constant 0 : i32
      %dma_start3A_752 = arith.constant 0 : i32
      %dma_start3A_753 = tpu.memref_slice %arg6[%dma_start3A_750, %dma_start3A_751, %dma_start3A_752] : memref<10x128x64xf32, #tpu.memory_space<vmem>> -> memref<1x128x64xf32, #tpu.memory_space<vmem>>
      %dma_start3A_754 = tpu.memref_squeeze %dma_start3A_753 : memref<1x128x64xf32, #tpu.memory_space<vmem>> -> memref<128x64xf32, #tpu.memory_space<vmem>>
      %dma_start3A_755 = arith.constant 0 : i32
      %dma_start3A_756 = tpu.memref_slice %arg5[%sub3A_749, %dma_start3A_755] : memref<200x128xi32, #tpu.memory_space<vmem>> -> memref<1x128xi32, #tpu.memory_space<vmem>>
      %dma_start3A_757 = tpu.memref_squeeze %dma_start3A_756 : memref<1x128xi32, #tpu.memory_space<vmem>> -> memref<128xi32, #tpu.memory_space<vmem>>
      %dma_start3A_758 = arith.constant 0 : i32
      %dma_start3A_759 = arith.constant 0 : i32
      %dma_start3A_760 = tpu.memref_slice %arg2[%dma_start3A_758, %dma_start3A_759] : memref<100000x64xf32, #tpu.memory_space<hbm>> -> memref<100000x64xf32, #tpu.memory_space<hbm>>
      tpu.enqueue_indirect_dma source(%dma_start3A_760 : memref<100000x64xf32, #tpu.memory_space<hbm>>) target(%dma_start3A_754 : memref<128x64xf32, #tpu.memory_space<vmem>>) offsets(%dma_start3A_757 : memref<128xi32, #tpu.memory_space<vmem>>) semaphore(%arg9 : memref<!tpu.dma_semaphore, #tpu.memory_space<semaphore_mem>>)
      %mul3A_761 = arith.constant 10 : i32
      %mul3A_762 = arith.muli %add3A_569, %mul3A_761 : i32
      %add3A_763 = arith.constant 1 : i32
      %add3A_764 = arith.addi %add3A_763, %mul3A_762 : i32
      %add3A_765 = arith.constant 3 : i32
      %add3A_766 = arith.addi %add3A_764, %add3A_765 : i32
      %dma_wait3A_767 = arith.constant 0 : i32
      %dma_wait3A_768 = arith.constant 4 : i32
      %dma_wait3A_769 = arith.constant 0 : i32
      %dma_wait3A_770 = arith.constant 0 : i32
      %dma_wait3A_771 = tpu.memref_slice %arg6[%dma_wait3A_768, %dma_wait3A_769, %dma_wait3A_770] : memref<10x128x64xf32, #tpu.memory_space<vmem>> -> memref<1x128x64xf32, #tpu.memory_space<vmem>>
      %dma_wait3A_772 = tpu.memref_squeeze %dma_wait3A_771 : memref<1x128x64xf32, #tpu.memory_space<vmem>> -> memref<128x64xf32, #tpu.memory_space<vmem>>
      %dma_wait3A_773 = arith.constant 0 : i32
      %dma_wait3A_774 = tpu.memref_slice %arg5[%dma_wait3A_767, %dma_wait3A_773] : memref<200x128xi32, #tpu.memory_space<vmem>> -> memref<1x128xi32, #tpu.memory_space<vmem>>
      %dma_wait3A_775 = tpu.memref_squeeze %dma_wait3A_774 : memref<1x128xi32, #tpu.memory_space<vmem>> -> memref<128xi32, #tpu.memory_space<vmem>>
      %dma_wait3A_776 = arith.constant 0 : i32
      %dma_wait3A_777 = arith.constant 0 : i32
      %dma_wait3A_778 = tpu.memref_slice %arg2[%dma_wait3A_776, %dma_wait3A_777] : memref<100000x64xf32, #tpu.memory_space<hbm>> -> memref<100000x64xf32, #tpu.memory_space<hbm>>
      tpu.wait_indirect_dma semaphore(%arg11 : memref<!tpu.dma_semaphore, #tpu.memory_space<semaphore_mem>>) src(%dma_wait3A_778 : memref<100000x64xf32, #tpu.memory_space<hbm>>) dst(%dma_wait3A_772 : memref<128x64xf32, #tpu.memory_space<vmem>>)
      %add3A_779 = arith.addi %mul3A_2, %add3A_766 : i32
      %mul3A_780 = arith.constant 128 : i32
      %mul3A_781 = arith.muli %add3A_779, %mul3A_780 : i32
      %dma_start3A_782 = arith.constant 4 : i32
      %dma_start3A_783 = arith.constant 0 : i32
      %dma_start3A_784 = arith.constant 0 : i32
      %dma_start3A_785 = tpu.memref_slice %arg6[%dma_start3A_782, %dma_start3A_783, %dma_start3A_784] : memref<10x128x64xf32, #tpu.memory_space<vmem>> -> memref<1x128x64xf32, #tpu.memory_space<vmem>>
      %dma_start3A_786 = tpu.memref_squeeze %dma_start3A_785 : memref<1x128x64xf32, #tpu.memory_space<vmem>> -> memref<128x64xf32, #tpu.memory_space<vmem>>
      %dma_start3A_787 = arith.constant 0 : i32
      %dma_start3A_788 = tpu.memref_slice %arg4[%mul3A_781, %dma_start3A_787] : memref<819200x64xf32, #tpu.memory_space<hbm>> -> memref<128x64xf32, #tpu.memory_space<hbm>>
      %dma_start3A_789 = arith.constant 0 : i32
      %dma_start3A_790 = tpu.memref_slice %arg4[%mul3A_781, %dma_start3A_789] : memref<819200x64xf32, #tpu.memory_space<hbm>> -> memref<128x64xf32, #tpu.memory_space<hbm>>
      %dma_start3A_791 = arith.constant 0 : i32
      %dma_start3A_792 = arith.constant 0 : i32
      %dma_start3A_793 = tpu.memref_slice %arg6[%dma_start3A_782, %dma_start3A_791, %dma_start3A_792] : memref<10x128x64xf32, #tpu.memory_space<vmem>> -> memref<1x128x64xf32, #tpu.memory_space<vmem>>
      %dma_start3A_794 = tpu.memref_squeeze %dma_start3A_793 : memref<1x128x64xf32, #tpu.memory_space<vmem>> -> memref<128x64xf32, #tpu.memory_space<vmem>>
      tpu.enqueue_dma source(%dma_start3A_794 : memref<128x64xf32, #tpu.memory_space<vmem>>) target(%dma_start3A_790 : memref<128x64xf32, #tpu.memory_space<hbm>>) target_semaphore(%arg21 : memref<!tpu.dma_semaphore, #tpu.memory_space<semaphore_mem>>)
      %mul3A_795 = arith.constant 128 : i32
      %mul3A_796 = arith.muli %mul3A_2, %mul3A_795 : i32
      %dma_wait3A_797 = arith.constant 3 : i32
      %dma_wait3A_798 = arith.constant 0 : i32
      %dma_wait3A_799 = arith.constant 0 : i32
      %dma_wait3A_800 = tpu.memref_slice %arg6[%dma_wait3A_797, %dma_wait3A_798, %dma_wait3A_799] : memref<10x128x64xf32, #tpu.memory_space<vmem>> -> memref<1x128x64xf32, #tpu.memory_space<vmem>>
      %dma_wait3A_801 = tpu.memref_squeeze %dma_wait3A_800 : memref<1x128x64xf32, #tpu.memory_space<vmem>> -> memref<128x64xf32, #tpu.memory_space<vmem>>
      %dma_wait3A_802 = arith.constant 0 : i32
      %dma_wait3A_803 = tpu.memref_slice %arg4[%mul3A_796, %dma_wait3A_802] : memref<819200x64xf32, #tpu.memory_space<hbm>> -> memref<128x64xf32, #tpu.memory_space<hbm>>
      %dma_wait3A_804 = arith.constant 0 : i32
      %dma_wait3A_805 = tpu.memref_slice %arg4[%mul3A_796, %dma_wait3A_804] : memref<819200x64xf32, #tpu.memory_space<hbm>> -> memref<128x64xf32, #tpu.memory_space<hbm>>
      %dma_wait3A_806 = arith.constant 0 : i32
      %dma_wait3A_807 = arith.constant 0 : i32
      %dma_wait3A_808 = tpu.memref_slice %arg6[%dma_wait3A_797, %dma_wait3A_806, %dma_wait3A_807] : memref<10x128x64xf32, #tpu.memory_space<vmem>> -> memref<1x128x64xf32, #tpu.memory_space<vmem>>
      %dma_wait3A_809 = tpu.memref_squeeze %dma_wait3A_808 : memref<1x128x64xf32, #tpu.memory_space<vmem>> -> memref<128x64xf32, #tpu.memory_space<vmem>>
      tpu.wait_dma2 semaphore(%arg20 : memref<!tpu.dma_semaphore, #tpu.memory_space<semaphore_mem>>) src(%dma_wait3A_809 : memref<128x64xf32, #tpu.memory_space<vmem>>) dst(%dma_wait3A_805 : memref<128x64xf32, #tpu.memory_space<hbm>>)
      %add3A_810 = arith.constant 10 : i32
      %add3A_811 = arith.addi %add3A_766, %add3A_810 : i32
      %sub3A_812 = arith.constant 1 : i32
      %sub3A_813 = arith.subi %add3A_811, %sub3A_812 : i32
      %dma_start3A_814 = arith.constant 3 : i32
      %dma_start3A_815 = arith.constant 0 : i32
      %dma_start3A_816 = arith.constant 0 : i32
      %dma_start3A_817 = tpu.memref_slice %arg6[%dma_start3A_814, %dma_start3A_815, %dma_start3A_816] : memref<10x128x64xf32, #tpu.memory_space<vmem>> -> memref<1x128x64xf32, #tpu.memory_space<vmem>>
      %dma_start3A_818 = tpu.memref_squeeze %dma_start3A_817 : memref<1x128x64xf32, #tpu.memory_space<vmem>> -> memref<128x64xf32, #tpu.memory_space<vmem>>
      %dma_start3A_819 = arith.constant 0 : i32
      %dma_start3A_820 = tpu.memref_slice %arg5[%sub3A_813, %dma_start3A_819] : memref<200x128xi32, #tpu.memory_space<vmem>> -> memref<1x128xi32, #tpu.memory_space<vmem>>
      %dma_start3A_821 = tpu.memref_squeeze %dma_start3A_820 : memref<1x128xi32, #tpu.memory_space<vmem>> -> memref<128xi32, #tpu.memory_space<vmem>>
      %dma_start3A_822 = arith.constant 0 : i32
      %dma_start3A_823 = arith.constant 0 : i32
      %dma_start3A_824 = tpu.memref_slice %arg2[%dma_start3A_822, %dma_start3A_823] : memref<100000x64xf32, #tpu.memory_space<hbm>> -> memref<100000x64xf32, #tpu.memory_space<hbm>>
      tpu.enqueue_indirect_dma source(%dma_start3A_824 : memref<100000x64xf32, #tpu.memory_space<hbm>>) target(%dma_start3A_818 : memref<128x64xf32, #tpu.memory_space<vmem>>) offsets(%dma_start3A_821 : memref<128xi32, #tpu.memory_space<vmem>>) semaphore(%arg10 : memref<!tpu.dma_semaphore, #tpu.memory_space<semaphore_mem>>)
      %mul3A_825 = arith.constant 10 : i32
      %mul3A_826 = arith.muli %add3A_569, %mul3A_825 : i32
      %add3A_827 = arith.constant 1 : i32
      %add3A_828 = arith.addi %add3A_827, %mul3A_826 : i32
      %add3A_829 = arith.constant 4 : i32
      %add3A_830 = arith.addi %add3A_828, %add3A_829 : i32
      %dma_wait3A_831 = arith.constant 0 : i32
      %dma_wait3A_832 = arith.constant 5 : i32
      %dma_wait3A_833 = arith.constant 0 : i32
      %dma_wait3A_834 = arith.constant 0 : i32
      %dma_wait3A_835 = tpu.memref_slice %arg6[%dma_wait3A_832, %dma_wait3A_833, %dma_wait3A_834] : memref<10x128x64xf32, #tpu.memory_space<vmem>> -> memref<1x128x64xf32, #tpu.memory_space<vmem>>
      %dma_wait3A_836 = tpu.memref_squeeze %dma_wait3A_835 : memref<1x128x64xf32, #tpu.memory_space<vmem>> -> memref<128x64xf32, #tpu.memory_space<vmem>>
      %dma_wait3A_837 = arith.constant 0 : i32
      %dma_wait3A_838 = tpu.memref_slice %arg5[%dma_wait3A_831, %dma_wait3A_837] : memref<200x128xi32, #tpu.memory_space<vmem>> -> memref<1x128xi32, #tpu.memory_space<vmem>>
      %dma_wait3A_839 = tpu.memref_squeeze %dma_wait3A_838 : memref<1x128xi32, #tpu.memory_space<vmem>> -> memref<128xi32, #tpu.memory_space<vmem>>
      %dma_wait3A_840 = arith.constant 0 : i32
      %dma_wait3A_841 = arith.constant 0 : i32
      %dma_wait3A_842 = tpu.memref_slice %arg2[%dma_wait3A_840, %dma_wait3A_841] : memref<100000x64xf32, #tpu.memory_space<hbm>> -> memref<100000x64xf32, #tpu.memory_space<hbm>>
      tpu.wait_indirect_dma semaphore(%arg12 : memref<!tpu.dma_semaphore, #tpu.memory_space<semaphore_mem>>) src(%dma_wait3A_842 : memref<100000x64xf32, #tpu.memory_space<hbm>>) dst(%dma_wait3A_836 : memref<128x64xf32, #tpu.memory_space<vmem>>)
      %add3A_843 = arith.addi %mul3A_2, %add3A_830 : i32
      %mul3A_844 = arith.constant 128 : i32
      %mul3A_845 = arith.muli %add3A_843, %mul3A_844 : i32
      %dma_start3A_846 = arith.constant 5 : i32
      %dma_start3A_847 = arith.constant 0 : i32
      %dma_start3A_848 = arith.constant 0 : i32
      %dma_start3A_849 = tpu.memref_slice %arg6[%dma_start3A_846, %dma_start3A_847, %dma_start3A_848] : memref<10x128x64xf32, #tpu.memory_space<vmem>> -> memref<1x128x64xf32, #tpu.memory_space<vmem>>
      %dma_start3A_850 = tpu.memref_squeeze %dma_start3A_849 : memref<1x128x64xf32, #tpu.memory_space<vmem>> -> memref<128x64xf32, #tpu.memory_space<vmem>>
      %dma_start3A_851 = arith.constant 0 : i32
      %dma_start3A_852 = tpu.memref_slice %arg4[%mul3A_845, %dma_start3A_851] : memref<819200x64xf32, #tpu.memory_space<hbm>> -> memref<128x64xf32, #tpu.memory_space<hbm>>
      %dma_start3A_853 = arith.constant 0 : i32
      %dma_start3A_854 = tpu.memref_slice %arg4[%mul3A_845, %dma_start3A_853] : memref<819200x64xf32, #tpu.memory_space<hbm>> -> memref<128x64xf32, #tpu.memory_space<hbm>>
      %dma_start3A_855 = arith.constant 0 : i32
      %dma_start3A_856 = arith.constant 0 : i32
      %dma_start3A_857 = tpu.memref_slice %arg6[%dma_start3A_846, %dma_start3A_855, %dma_start3A_856] : memref<10x128x64xf32, #tpu.memory_space<vmem>> -> memref<1x128x64xf32, #tpu.memory_space<vmem>>
      %dma_start3A_858 = tpu.memref_squeeze %dma_start3A_857 : memref<1x128x64xf32, #tpu.memory_space<vmem>> -> memref<128x64xf32, #tpu.memory_space<vmem>>
      tpu.enqueue_dma source(%dma_start3A_858 : memref<128x64xf32, #tpu.memory_space<vmem>>) target(%dma_start3A_854 : memref<128x64xf32, #tpu.memory_space<hbm>>) target_semaphore(%arg22 : memref<!tpu.dma_semaphore, #tpu.memory_space<semaphore_mem>>)
      %mul3A_859 = arith.constant 128 : i32
      %mul3A_860 = arith.muli %mul3A_2, %mul3A_859 : i32
      %dma_wait3A_861 = arith.constant 4 : i32
      %dma_wait3A_862 = arith.constant 0 : i32
      %dma_wait3A_863 = arith.constant 0 : i32
      %dma_wait3A_864 = tpu.memref_slice %arg6[%dma_wait3A_861, %dma_wait3A_862, %dma_wait3A_863] : memref<10x128x64xf32, #tpu.memory_space<vmem>> -> memref<1x128x64xf32, #tpu.memory_space<vmem>>
      %dma_wait3A_865 = tpu.memref_squeeze %dma_wait3A_864 : memref<1x128x64xf32, #tpu.memory_space<vmem>> -> memref<128x64xf32, #tpu.memory_space<vmem>>
      %dma_wait3A_866 = arith.constant 0 : i32
      %dma_wait3A_867 = tpu.memref_slice %arg4[%mul3A_860, %dma_wait3A_866] : memref<819200x64xf32, #tpu.memory_space<hbm>> -> memref<128x64xf32, #tpu.memory_space<hbm>>
      %dma_wait3A_868 = arith.constant 0 : i32
      %dma_wait3A_869 = tpu.memref_slice %arg4[%mul3A_860, %dma_wait3A_868] : memref<819200x64xf32, #tpu.memory_space<hbm>> -> memref<128x64xf32, #tpu.memory_space<hbm>>
      %dma_wait3A_870 = arith.constant 0 : i32
      %dma_wait3A_871 = arith.constant 0 : i32
      %dma_wait3A_872 = tpu.memref_slice %arg6[%dma_wait3A_861, %dma_wait3A_870, %dma_wait3A_871] : memref<10x128x64xf32, #tpu.memory_space<vmem>> -> memref<1x128x64xf32, #tpu.memory_space<vmem>>
      %dma_wait3A_873 = tpu.memref_squeeze %dma_wait3A_872 : memref<1x128x64xf32, #tpu.memory_space<vmem>> -> memref<128x64xf32, #tpu.memory_space<vmem>>
      tpu.wait_dma2 semaphore(%arg21 : memref<!tpu.dma_semaphore, #tpu.memory_space<semaphore_mem>>) src(%dma_wait3A_873 : memref<128x64xf32, #tpu.memory_space<vmem>>) dst(%dma_wait3A_869 : memref<128x64xf32, #tpu.memory_space<hbm>>)
      %add3A_874 = arith.constant 10 : i32
      %add3A_875 = arith.addi %add3A_830, %add3A_874 : i32
      %sub3A_876 = arith.constant 1 : i32
      %sub3A_877 = arith.subi %add3A_875, %sub3A_876 : i32
      %dma_start3A_878 = arith.constant 4 : i32
      %dma_start3A_879 = arith.constant 0 : i32
      %dma_start3A_880 = arith.constant 0 : i32
      %dma_start3A_881 = tpu.memref_slice %arg6[%dma_start3A_878, %dma_start3A_879, %dma_start3A_880] : memref<10x128x64xf32, #tpu.memory_space<vmem>> -> memref<1x128x64xf32, #tpu.memory_space<vmem>>
      %dma_start3A_882 = tpu.memref_squeeze %dma_start3A_881 : memref<1x128x64xf32, #tpu.memory_space<vmem>> -> memref<128x64xf32, #tpu.memory_space<vmem>>
      %dma_start3A_883 = arith.constant 0 : i32
      %dma_start3A_884 = tpu.memref_slice %arg5[%sub3A_877, %dma_start3A_883] : memref<200x128xi32, #tpu.memory_space<vmem>> -> memref<1x128xi32, #tpu.memory_space<vmem>>
      %dma_start3A_885 = tpu.memref_squeeze %dma_start3A_884 : memref<1x128xi32, #tpu.memory_space<vmem>> -> memref<128xi32, #tpu.memory_space<vmem>>
      %dma_start3A_886 = arith.constant 0 : i32
      %dma_start3A_887 = arith.constant 0 : i32
      %dma_start3A_888 = tpu.memref_slice %arg2[%dma_start3A_886, %dma_start3A_887] : memref<100000x64xf32, #tpu.memory_space<hbm>> -> memref<100000x64xf32, #tpu.memory_space<hbm>>
      tpu.enqueue_indirect_dma source(%dma_start3A_888 : memref<100000x64xf32, #tpu.memory_space<hbm>>) target(%dma_start3A_882 : memref<128x64xf32, #tpu.memory_space<vmem>>) offsets(%dma_start3A_885 : memref<128xi32, #tpu.memory_space<vmem>>) semaphore(%arg11 : memref<!tpu.dma_semaphore, #tpu.memory_space<semaphore_mem>>)
      %mul3A_889 = arith.constant 10 : i32
      %mul3A_890 = arith.muli %add3A_569, %mul3A_889 : i32
      %add3A_891 = arith.constant 1 : i32
      %add3A_892 = arith.addi %add3A_891, %mul3A_890 : i32
      %add3A_893 = arith.constant 5 : i32
      %add3A_894 = arith.addi %add3A_892, %add3A_893 : i32
      %dma_wait3A_895 = arith.constant 0 : i32
      %dma_wait3A_896 = arith.constant 6 : i32
      %dma_wait3A_897 = arith.constant 0 : i32
      %dma_wait3A_898 = arith.constant 0 : i32
      %dma_wait3A_899 = tpu.memref_slice %arg6[%dma_wait3A_896, %dma_wait3A_897, %dma_wait3A_898] : memref<10x128x64xf32, #tpu.memory_space<vmem>> -> memref<1x128x64xf32, #tpu.memory_space<vmem>>
      %dma_wait3A_900 = tpu.memref_squeeze %dma_wait3A_899 : memref<1x128x64xf32, #tpu.memory_space<vmem>> -> memref<128x64xf32, #tpu.memory_space<vmem>>
      %dma_wait3A_901 = arith.constant 0 : i32
      %dma_wait3A_902 = tpu.memref_slice %arg5[%dma_wait3A_895, %dma_wait3A_901] : memref<200x128xi32, #tpu.memory_space<vmem>> -> memref<1x128xi32, #tpu.memory_space<vmem>>
      %dma_wait3A_903 = tpu.memref_squeeze %dma_wait3A_902 : memref<1x128xi32, #tpu.memory_space<vmem>> -> memref<128xi32, #tpu.memory_space<vmem>>
      %dma_wait3A_904 = arith.constant 0 : i32
      %dma_wait3A_905 = arith.constant 0 : i32
      %dma_wait3A_906 = tpu.memref_slice %arg2[%dma_wait3A_904, %dma_wait3A_905] : memref<100000x64xf32, #tpu.memory_space<hbm>> -> memref<100000x64xf32, #tpu.memory_space<hbm>>
      tpu.wait_indirect_dma semaphore(%arg13 : memref<!tpu.dma_semaphore, #tpu.memory_space<semaphore_mem>>) src(%dma_wait3A_906 : memref<100000x64xf32, #tpu.memory_space<hbm>>) dst(%dma_wait3A_900 : memref<128x64xf32, #tpu.memory_space<vmem>>)
      %add3A_907 = arith.addi %mul3A_2, %add3A_894 : i32
      %mul3A_908 = arith.constant 128 : i32
      %mul3A_909 = arith.muli %add3A_907, %mul3A_908 : i32
      %dma_start3A_910 = arith.constant 6 : i32
      %dma_start3A_911 = arith.constant 0 : i32
      %dma_start3A_912 = arith.constant 0 : i32
      %dma_start3A_913 = tpu.memref_slice %arg6[%dma_start3A_910, %dma_start3A_911, %dma_start3A_912] : memref<10x128x64xf32, #tpu.memory_space<vmem>> -> memref<1x128x64xf32, #tpu.memory_space<vmem>>
      %dma_start3A_914 = tpu.memref_squeeze %dma_start3A_913 : memref<1x128x64xf32, #tpu.memory_space<vmem>> -> memref<128x64xf32, #tpu.memory_space<vmem>>
      %dma_start3A_915 = arith.constant 0 : i32
      %dma_start3A_916 = tpu.memref_slice %arg4[%mul3A_909, %dma_start3A_915] : memref<819200x64xf32, #tpu.memory_space<hbm>> -> memref<128x64xf32, #tpu.memory_space<hbm>>
      %dma_start3A_917 = arith.constant 0 : i32
      %dma_start3A_918 = tpu.memref_slice %arg4[%mul3A_909, %dma_start3A_917] : memref<819200x64xf32, #tpu.memory_space<hbm>> -> memref<128x64xf32, #tpu.memory_space<hbm>>
      %dma_start3A_919 = arith.constant 0 : i32
      %dma_start3A_920 = arith.constant 0 : i32
      %dma_start3A_921 = tpu.memref_slice %arg6[%dma_start3A_910, %dma_start3A_919, %dma_start3A_920] : memref<10x128x64xf32, #tpu.memory_space<vmem>> -> memref<1x128x64xf32, #tpu.memory_space<vmem>>
      %dma_start3A_922 = tpu.memref_squeeze %dma_start3A_921 : memref<1x128x64xf32, #tpu.memory_space<vmem>> -> memref<128x64xf32, #tpu.memory_space<vmem>>
      tpu.enqueue_dma source(%dma_start3A_922 : memref<128x64xf32, #tpu.memory_space<vmem>>) target(%dma_start3A_918 : memref<128x64xf32, #tpu.memory_space<hbm>>) target_semaphore(%arg23 : memref<!tpu.dma_semaphore, #tpu.memory_space<semaphore_mem>>)
      %mul3A_923 = arith.constant 128 : i32
      %mul3A_924 = arith.muli %mul3A_2, %mul3A_923 : i32
      %dma_wait3A_925 = arith.constant 5 : i32
      %dma_wait3A_926 = arith.constant 0 : i32
      %dma_wait3A_927 = arith.constant 0 : i32
      %dma_wait3A_928 = tpu.memref_slice %arg6[%dma_wait3A_925, %dma_wait3A_926, %dma_wait3A_927] : memref<10x128x64xf32, #tpu.memory_space<vmem>> -> memref<1x128x64xf32, #tpu.memory_space<vmem>>
      %dma_wait3A_929 = tpu.memref_squeeze %dma_wait3A_928 : memref<1x128x64xf32, #tpu.memory_space<vmem>> -> memref<128x64xf32, #tpu.memory_space<vmem>>
      %dma_wait3A_930 = arith.constant 0 : i32
      %dma_wait3A_931 = tpu.memref_slice %arg4[%mul3A_924, %dma_wait3A_930] : memref<819200x64xf32, #tpu.memory_space<hbm>> -> memref<128x64xf32, #tpu.memory_space<hbm>>
      %dma_wait3A_932 = arith.constant 0 : i32
      %dma_wait3A_933 = tpu.memref_slice %arg4[%mul3A_924, %dma_wait3A_932] : memref<819200x64xf32, #tpu.memory_space<hbm>> -> memref<128x64xf32, #tpu.memory_space<hbm>>
      %dma_wait3A_934 = arith.constant 0 : i32
      %dma_wait3A_935 = arith.constant 0 : i32
      %dma_wait3A_936 = tpu.memref_slice %arg6[%dma_wait3A_925, %dma_wait3A_934, %dma_wait3A_935] : memref<10x128x64xf32, #tpu.memory_space<vmem>> -> memref<1x128x64xf32, #tpu.memory_space<vmem>>
      %dma_wait3A_937 = tpu.memref_squeeze %dma_wait3A_936 : memref<1x128x64xf32, #tpu.memory_space<vmem>> -> memref<128x64xf32, #tpu.memory_space<vmem>>
      tpu.wait_dma2 semaphore(%arg22 : memref<!tpu.dma_semaphore, #tpu.memory_space<semaphore_mem>>) src(%dma_wait3A_937 : memref<128x64xf32, #tpu.memory_space<vmem>>) dst(%dma_wait3A_933 : memref<128x64xf32, #tpu.memory_space<hbm>>)
      %add3A_938 = arith.constant 10 : i32
      %add3A_939 = arith.addi %add3A_894, %add3A_938 : i32
      %sub3A_940 = arith.constant 1 : i32
      %sub3A_941 = arith.subi %add3A_939, %sub3A_940 : i32
      %dma_start3A_942 = arith.constant 5 : i32
      %dma_start3A_943 = arith.constant 0 : i32
      %dma_start3A_944 = arith.constant 0 : i32
      %dma_start3A_945 = tpu.memref_slice %arg6[%dma_start3A_942, %dma_start3A_943, %dma_start3A_944] : memref<10x128x64xf32, #tpu.memory_space<vmem>> -> memref<1x128x64xf32, #tpu.memory_space<vmem>>
      %dma_start3A_946 = tpu.memref_squeeze %dma_start3A_945 : memref<1x128x64xf32, #tpu.memory_space<vmem>> -> memref<128x64xf32, #tpu.memory_space<vmem>>
      %dma_start3A_947 = arith.constant 0 : i32
      %dma_start3A_948 = tpu.memref_slice %arg5[%sub3A_941, %dma_start3A_947] : memref<200x128xi32, #tpu.memory_space<vmem>> -> memref<1x128xi32, #tpu.memory_space<vmem>>
      %dma_start3A_949 = tpu.memref_squeeze %dma_start3A_948 : memref<1x128xi32, #tpu.memory_space<vmem>> -> memref<128xi32, #tpu.memory_space<vmem>>
      %dma_start3A_950 = arith.constant 0 : i32
      %dma_start3A_951 = arith.constant 0 : i32
      %dma_start3A_952 = tpu.memref_slice %arg2[%dma_start3A_950, %dma_start3A_951] : memref<100000x64xf32, #tpu.memory_space<hbm>> -> memref<100000x64xf32, #tpu.memory_space<hbm>>
      tpu.enqueue_indirect_dma source(%dma_start3A_952 : memref<100000x64xf32, #tpu.memory_space<hbm>>) target(%dma_start3A_946 : memref<128x64xf32, #tpu.memory_space<vmem>>) offsets(%dma_start3A_949 : memref<128xi32, #tpu.memory_space<vmem>>) semaphore(%arg12 : memref<!tpu.dma_semaphore, #tpu.memory_space<semaphore_mem>>)
      %mul3A_953 = arith.constant 10 : i32
      %mul3A_954 = arith.muli %add3A_569, %mul3A_953 : i32
      %add3A_955 = arith.constant 1 : i32
      %add3A_956 = arith.addi %add3A_955, %mul3A_954 : i32
      %add3A_957 = arith.constant 6 : i32
      %add3A_958 = arith.addi %add3A_956, %add3A_957 : i32
      %dma_wait3A_959 = arith.constant 0 : i32
      %dma_wait3A_960 = arith.constant 7 : i32
      %dma_wait3A_961 = arith.constant 0 : i32
      %dma_wait3A_962 = arith.constant 0 : i32
      %dma_wait3A_963 = tpu.memref_slice %arg6[%dma_wait3A_960, %dma_wait3A_961, %dma_wait3A_962] : memref<10x128x64xf32, #tpu.memory_space<vmem>> -> memref<1x128x64xf32, #tpu.memory_space<vmem>>
      %dma_wait3A_964 = tpu.memref_squeeze %dma_wait3A_963 : memref<1x128x64xf32, #tpu.memory_space<vmem>> -> memref<128x64xf32, #tpu.memory_space<vmem>>
      %dma_wait3A_965 = arith.constant 0 : i32
      %dma_wait3A_966 = tpu.memref_slice %arg5[%dma_wait3A_959, %dma_wait3A_965] : memref<200x128xi32, #tpu.memory_space<vmem>> -> memref<1x128xi32, #tpu.memory_space<vmem>>
      %dma_wait3A_967 = tpu.memref_squeeze %dma_wait3A_966 : memref<1x128xi32, #tpu.memory_space<vmem>> -> memref<128xi32, #tpu.memory_space<vmem>>
      %dma_wait3A_968 = arith.constant 0 : i32
      %dma_wait3A_969 = arith.constant 0 : i32
      %dma_wait3A_970 = tpu.memref_slice %arg2[%dma_wait3A_968, %dma_wait3A_969] : memref<100000x64xf32, #tpu.memory_space<hbm>> -> memref<100000x64xf32, #tpu.memory_space<hbm>>
      tpu.wait_indirect_dma semaphore(%arg14 : memref<!tpu.dma_semaphore, #tpu.memory_space<semaphore_mem>>) src(%dma_wait3A_970 : memref<100000x64xf32, #tpu.memory_space<hbm>>) dst(%dma_wait3A_964 : memref<128x64xf32, #tpu.memory_space<vmem>>)
      %add3A_971 = arith.addi %mul3A_2, %add3A_958 : i32
      %mul3A_972 = arith.constant 128 : i32
      %mul3A_973 = arith.muli %add3A_971, %mul3A_972 : i32
      %dma_start3A_974 = arith.constant 7 : i32
      %dma_start3A_975 = arith.constant 0 : i32
      %dma_start3A_976 = arith.constant 0 : i32
      %dma_start3A_977 = tpu.memref_slice %arg6[%dma_start3A_974, %dma_start3A_975, %dma_start3A_976] : memref<10x128x64xf32, #tpu.memory_space<vmem>> -> memref<1x128x64xf32, #tpu.memory_space<vmem>>
      %dma_start3A_978 = tpu.memref_squeeze %dma_start3A_977 : memref<1x128x64xf32, #tpu.memory_space<vmem>> -> memref<128x64xf32, #tpu.memory_space<vmem>>
      %dma_start3A_979 = arith.constant 0 : i32
      %dma_start3A_980 = tpu.memref_slice %arg4[%mul3A_973, %dma_start3A_979] : memref<819200x64xf32, #tpu.memory_space<hbm>> -> memref<128x64xf32, #tpu.memory_space<hbm>>
      %dma_start3A_981 = arith.constant 0 : i32
      %dma_start3A_982 = tpu.memref_slice %arg4[%mul3A_973, %dma_start3A_981] : memref<819200x64xf32, #tpu.memory_space<hbm>> -> memref<128x64xf32, #tpu.memory_space<hbm>>
      %dma_start3A_983 = arith.constant 0 : i32
      %dma_start3A_984 = arith.constant 0 : i32
      %dma_start3A_985 = tpu.memref_slice %arg6[%dma_start3A_974, %dma_start3A_983, %dma_start3A_984] : memref<10x128x64xf32, #tpu.memory_space<vmem>> -> memref<1x128x64xf32, #tpu.memory_space<vmem>>
      %dma_start3A_986 = tpu.memref_squeeze %dma_start3A_985 : memref<1x128x64xf32, #tpu.memory_space<vmem>> -> memref<128x64xf32, #tpu.memory_space<vmem>>
      tpu.enqueue_dma source(%dma_start3A_986 : memref<128x64xf32, #tpu.memory_space<vmem>>) target(%dma_start3A_982 : memref<128x64xf32, #tpu.memory_space<hbm>>) target_semaphore(%arg24 : memref<!tpu.dma_semaphore, #tpu.memory_space<semaphore_mem>>)
      %mul3A_987 = arith.constant 128 : i32
      %mul3A_988 = arith.muli %mul3A_2, %mul3A_987 : i32
      %dma_wait3A_989 = arith.constant 6 : i32
      %dma_wait3A_990 = arith.constant 0 : i32
      %dma_wait3A_991 = arith.constant 0 : i32
      %dma_wait3A_992 = tpu.memref_slice %arg6[%dma_wait3A_989, %dma_wait3A_990, %dma_wait3A_991] : memref<10x128x64xf32, #tpu.memory_space<vmem>> -> memref<1x128x64xf32, #tpu.memory_space<vmem>>
      %dma_wait3A_993 = tpu.memref_squeeze %dma_wait3A_992 : memref<1x128x64xf32, #tpu.memory_space<vmem>> -> memref<128x64xf32, #tpu.memory_space<vmem>>
      %dma_wait3A_994 = arith.constant 0 : i32
      %dma_wait3A_995 = tpu.memref_slice %arg4[%mul3A_988, %dma_wait3A_994] : memref<819200x64xf32, #tpu.memory_space<hbm>> -> memref<128x64xf32, #tpu.memory_space<hbm>>
      %dma_wait3A_996 = arith.constant 0 : i32
      %dma_wait3A_997 = tpu.memref_slice %arg4[%mul3A_988, %dma_wait3A_996] : memref<819200x64xf32, #tpu.memory_space<hbm>> -> memref<128x64xf32, #tpu.memory_space<hbm>>
      %dma_wait3A_998 = arith.constant 0 : i32
      %dma_wait3A_999 = arith.constant 0 : i32
      %dma_wait3A_1000 = tpu.memref_slice %arg6[%dma_wait3A_989, %dma_wait3A_998, %dma_wait3A_999] : memref<10x128x64xf32, #tpu.memory_space<vmem>> -> memref<1x128x64xf32, #tpu.memory_space<vmem>>
      %dma_wait3A_1001 = tpu.memref_squeeze %dma_wait3A_1000 : memref<1x128x64xf32, #tpu.memory_space<vmem>> -> memref<128x64xf32, #tpu.memory_space<vmem>>
      tpu.wait_dma2 semaphore(%arg23 : memref<!tpu.dma_semaphore, #tpu.memory_space<semaphore_mem>>) src(%dma_wait3A_1001 : memref<128x64xf32, #tpu.memory_space<vmem>>) dst(%dma_wait3A_997 : memref<128x64xf32, #tpu.memory_space<hbm>>)
      %add3A_1002 = arith.constant 10 : i32
      %add3A_1003 = arith.addi %add3A_958, %add3A_1002 : i32
      %sub3A_1004 = arith.constant 1 : i32
      %sub3A_1005 = arith.subi %add3A_1003, %sub3A_1004 : i32
      %dma_start3A_1006 = arith.constant 6 : i32
      %dma_start3A_1007 = arith.constant 0 : i32
      %dma_start3A_1008 = arith.constant 0 : i32
      %dma_start3A_1009 = tpu.memref_slice %arg6[%dma_start3A_1006, %dma_start3A_1007, %dma_start3A_1008] : memref<10x128x64xf32, #tpu.memory_space<vmem>> -> memref<1x128x64xf32, #tpu.memory_space<vmem>>
      %dma_start3A_1010 = tpu.memref_squeeze %dma_start3A_1009 : memref<1x128x64xf32, #tpu.memory_space<vmem>> -> memref<128x64xf32, #tpu.memory_space<vmem>>
      %dma_start3A_1011 = arith.constant 0 : i32
      %dma_start3A_1012 = tpu.memref_slice %arg5[%sub3A_1005, %dma_start3A_1011] : memref<200x128xi32, #tpu.memory_space<vmem>> -> memref<1x128xi32, #tpu.memory_space<vmem>>
      %dma_start3A_1013 = tpu.memref_squeeze %dma_start3A_1012 : memref<1x128xi32, #tpu.memory_space<vmem>> -> memref<128xi32, #tpu.memory_space<vmem>>
      %dma_start3A_1014 = arith.constant 0 : i32
      %dma_start3A_1015 = arith.constant 0 : i32
      %dma_start3A_1016 = tpu.memref_slice %arg2[%dma_start3A_1014, %dma_start3A_1015] : memref<100000x64xf32, #tpu.memory_space<hbm>> -> memref<100000x64xf32, #tpu.memory_space<hbm>>
      tpu.enqueue_indirect_dma source(%dma_start3A_1016 : memref<100000x64xf32, #tpu.memory_space<hbm>>) target(%dma_start3A_1010 : memref<128x64xf32, #tpu.memory_space<vmem>>) offsets(%dma_start3A_1013 : memref<128xi32, #tpu.memory_space<vmem>>) semaphore(%arg13 : memref<!tpu.dma_semaphore, #tpu.memory_space<semaphore_mem>>)
      %mul3A_1017 = arith.constant 10 : i32
      %mul3A_1018 = arith.muli %add3A_569, %mul3A_1017 : i32
      %add3A_1019 = arith.constant 1 : i32
      %add3A_1020 = arith.addi %add3A_1019, %mul3A_1018 : i32
      %add3A_1021 = arith.constant 7 : i32
      %add3A_1022 = arith.addi %add3A_1020, %add3A_1021 : i32
      %dma_wait3A_1023 = arith.constant 0 : i32
      %dma_wait3A_1024 = arith.constant 8 : i32
      %dma_wait3A_1025 = arith.constant 0 : i32
      %dma_wait3A_1026 = arith.constant 0 : i32
      %dma_wait3A_1027 = tpu.memref_slice %arg6[%dma_wait3A_1024, %dma_wait3A_1025, %dma_wait3A_1026] : memref<10x128x64xf32, #tpu.memory_space<vmem>> -> memref<1x128x64xf32, #tpu.memory_space<vmem>>
      %dma_wait3A_1028 = tpu.memref_squeeze %dma_wait3A_1027 : memref<1x128x64xf32, #tpu.memory_space<vmem>> -> memref<128x64xf32, #tpu.memory_space<vmem>>
      %dma_wait3A_1029 = arith.constant 0 : i32
      %dma_wait3A_1030 = tpu.memref_slice %arg5[%dma_wait3A_1023, %dma_wait3A_1029] : memref<200x128xi32, #tpu.memory_space<vmem>> -> memref<1x128xi32, #tpu.memory_space<vmem>>
      %dma_wait3A_1031 = tpu.memref_squeeze %dma_wait3A_1030 : memref<1x128xi32, #tpu.memory_space<vmem>> -> memref<128xi32, #tpu.memory_space<vmem>>
      %dma_wait3A_1032 = arith.constant 0 : i32
      %dma_wait3A_1033 = arith.constant 0 : i32
      %dma_wait3A_1034 = tpu.memref_slice %arg2[%dma_wait3A_1032, %dma_wait3A_1033] : memref<100000x64xf32, #tpu.memory_space<hbm>> -> memref<100000x64xf32, #tpu.memory_space<hbm>>
      tpu.wait_indirect_dma semaphore(%arg15 : memref<!tpu.dma_semaphore, #tpu.memory_space<semaphore_mem>>) src(%dma_wait3A_1034 : memref<100000x64xf32, #tpu.memory_space<hbm>>) dst(%dma_wait3A_1028 : memref<128x64xf32, #tpu.memory_space<vmem>>)
      %add3A_1035 = arith.addi %mul3A_2, %add3A_1022 : i32
      %mul3A_1036 = arith.constant 128 : i32
      %mul3A_1037 = arith.muli %add3A_1035, %mul3A_1036 : i32
      %dma_start3A_1038 = arith.constant 8 : i32
      %dma_start3A_1039 = arith.constant 0 : i32
      %dma_start3A_1040 = arith.constant 0 : i32
      %dma_start3A_1041 = tpu.memref_slice %arg6[%dma_start3A_1038, %dma_start3A_1039, %dma_start3A_1040] : memref<10x128x64xf32, #tpu.memory_space<vmem>> -> memref<1x128x64xf32, #tpu.memory_space<vmem>>
      %dma_start3A_1042 = tpu.memref_squeeze %dma_start3A_1041 : memref<1x128x64xf32, #tpu.memory_space<vmem>> -> memref<128x64xf32, #tpu.memory_space<vmem>>
      %dma_start3A_1043 = arith.constant 0 : i32
      %dma_start3A_1044 = tpu.memref_slice %arg4[%mul3A_1037, %dma_start3A_1043] : memref<819200x64xf32, #tpu.memory_space<hbm>> -> memref<128x64xf32, #tpu.memory_space<hbm>>
      %dma_start3A_1045 = arith.constant 0 : i32
      %dma_start3A_1046 = tpu.memref_slice %arg4[%mul3A_1037, %dma_start3A_1045] : memref<819200x64xf32, #tpu.memory_space<hbm>> -> memref<128x64xf32, #tpu.memory_space<hbm>>
      %dma_start3A_1047 = arith.constant 0 : i32
      %dma_start3A_1048 = arith.constant 0 : i32
      %dma_start3A_1049 = tpu.memref_slice %arg6[%dma_start3A_1038, %dma_start3A_1047, %dma_start3A_1048] : memref<10x128x64xf32, #tpu.memory_space<vmem>> -> memref<1x128x64xf32, #tpu.memory_space<vmem>>
      %dma_start3A_1050 = tpu.memref_squeeze %dma_start3A_1049 : memref<1x128x64xf32, #tpu.memory_space<vmem>> -> memref<128x64xf32, #tpu.memory_space<vmem>>
      tpu.enqueue_dma source(%dma_start3A_1050 : memref<128x64xf32, #tpu.memory_space<vmem>>) target(%dma_start3A_1046 : memref<128x64xf32, #tpu.memory_space<hbm>>) target_semaphore(%arg25 : memref<!tpu.dma_semaphore, #tpu.memory_space<semaphore_mem>>)
      %mul3A_1051 = arith.constant 128 : i32
      %mul3A_1052 = arith.muli %mul3A_2, %mul3A_1051 : i32
      %dma_wait3A_1053 = arith.constant 7 : i32
      %dma_wait3A_1054 = arith.constant 0 : i32
      %dma_wait3A_1055 = arith.constant 0 : i32
      %dma_wait3A_1056 = tpu.memref_slice %arg6[%dma_wait3A_1053, %dma_wait3A_1054, %dma_wait3A_1055] : memref<10x128x64xf32, #tpu.memory_space<vmem>> -> memref<1x128x64xf32, #tpu.memory_space<vmem>>
      %dma_wait3A_1057 = tpu.memref_squeeze %dma_wait3A_1056 : memref<1x128x64xf32, #tpu.memory_space<vmem>> -> memref<128x64xf32, #tpu.memory_space<vmem>>
      %dma_wait3A_1058 = arith.constant 0 : i32
      %dma_wait3A_1059 = tpu.memref_slice %arg4[%mul3A_1052, %dma_wait3A_1058] : memref<819200x64xf32, #tpu.memory_space<hbm>> -> memref<128x64xf32, #tpu.memory_space<hbm>>
      %dma_wait3A_1060 = arith.constant 0 : i32
      %dma_wait3A_1061 = tpu.memref_slice %arg4[%mul3A_1052, %dma_wait3A_1060] : memref<819200x64xf32, #tpu.memory_space<hbm>> -> memref<128x64xf32, #tpu.memory_space<hbm>>
      %dma_wait3A_1062 = arith.constant 0 : i32
      %dma_wait3A_1063 = arith.constant 0 : i32
      %dma_wait3A_1064 = tpu.memref_slice %arg6[%dma_wait3A_1053, %dma_wait3A_1062, %dma_wait3A_1063] : memref<10x128x64xf32, #tpu.memory_space<vmem>> -> memref<1x128x64xf32, #tpu.memory_space<vmem>>
      %dma_wait3A_1065 = tpu.memref_squeeze %dma_wait3A_1064 : memref<1x128x64xf32, #tpu.memory_space<vmem>> -> memref<128x64xf32, #tpu.memory_space<vmem>>
      tpu.wait_dma2 semaphore(%arg24 : memref<!tpu.dma_semaphore, #tpu.memory_space<semaphore_mem>>) src(%dma_wait3A_1065 : memref<128x64xf32, #tpu.memory_space<vmem>>) dst(%dma_wait3A_1061 : memref<128x64xf32, #tpu.memory_space<hbm>>)
      %add3A_1066 = arith.constant 10 : i32
      %add3A_1067 = arith.addi %add3A_1022, %add3A_1066 : i32
      %sub3A_1068 = arith.constant 1 : i32
      %sub3A_1069 = arith.subi %add3A_1067, %sub3A_1068 : i32
      %dma_start3A_1070 = arith.constant 7 : i32
      %dma_start3A_1071 = arith.constant 0 : i32
      %dma_start3A_1072 = arith.constant 0 : i32
      %dma_start3A_1073 = tpu.memref_slice %arg6[%dma_start3A_1070, %dma_start3A_1071, %dma_start3A_1072] : memref<10x128x64xf32, #tpu.memory_space<vmem>> -> memref<1x128x64xf32, #tpu.memory_space<vmem>>
      %dma_start3A_1074 = tpu.memref_squeeze %dma_start3A_1073 : memref<1x128x64xf32, #tpu.memory_space<vmem>> -> memref<128x64xf32, #tpu.memory_space<vmem>>
      %dma_start3A_1075 = arith.constant 0 : i32
      %dma_start3A_1076 = tpu.memref_slice %arg5[%sub3A_1069, %dma_start3A_1075] : memref<200x128xi32, #tpu.memory_space<vmem>> -> memref<1x128xi32, #tpu.memory_space<vmem>>
      %dma_start3A_1077 = tpu.memref_squeeze %dma_start3A_1076 : memref<1x128xi32, #tpu.memory_space<vmem>> -> memref<128xi32, #tpu.memory_space<vmem>>
      %dma_start3A_1078 = arith.constant 0 : i32
      %dma_start3A_1079 = arith.constant 0 : i32
      %dma_start3A_1080 = tpu.memref_slice %arg2[%dma_start3A_1078, %dma_start3A_1079] : memref<100000x64xf32, #tpu.memory_space<hbm>> -> memref<100000x64xf32, #tpu.memory_space<hbm>>
      tpu.enqueue_indirect_dma source(%dma_start3A_1080 : memref<100000x64xf32, #tpu.memory_space<hbm>>) target(%dma_start3A_1074 : memref<128x64xf32, #tpu.memory_space<vmem>>) offsets(%dma_start3A_1077 : memref<128xi32, #tpu.memory_space<vmem>>) semaphore(%arg14 : memref<!tpu.dma_semaphore, #tpu.memory_space<semaphore_mem>>)
      %mul3A_1081 = arith.constant 10 : i32
      %mul3A_1082 = arith.muli %add3A_569, %mul3A_1081 : i32
      %add3A_1083 = arith.constant 1 : i32
      %add3A_1084 = arith.addi %add3A_1083, %mul3A_1082 : i32
      %add3A_1085 = arith.constant 8 : i32
      %add3A_1086 = arith.addi %add3A_1084, %add3A_1085 : i32
      %dma_wait3A_1087 = arith.constant 0 : i32
      %dma_wait3A_1088 = arith.constant 9 : i32
      %dma_wait3A_1089 = arith.constant 0 : i32
      %dma_wait3A_1090 = arith.constant 0 : i32
      %dma_wait3A_1091 = tpu.memref_slice %arg6[%dma_wait3A_1088, %dma_wait3A_1089, %dma_wait3A_1090] : memref<10x128x64xf32, #tpu.memory_space<vmem>> -> memref<1x128x64xf32, #tpu.memory_space<vmem>>
      %dma_wait3A_1092 = tpu.memref_squeeze %dma_wait3A_1091 : memref<1x128x64xf32, #tpu.memory_space<vmem>> -> memref<128x64xf32, #tpu.memory_space<vmem>>
      %dma_wait3A_1093 = arith.constant 0 : i32
      %dma_wait3A_1094 = tpu.memref_slice %arg5[%dma_wait3A_1087, %dma_wait3A_1093] : memref<200x128xi32, #tpu.memory_space<vmem>> -> memref<1x128xi32, #tpu.memory_space<vmem>>
      %dma_wait3A_1095 = tpu.memref_squeeze %dma_wait3A_1094 : memref<1x128xi32, #tpu.memory_space<vmem>> -> memref<128xi32, #tpu.memory_space<vmem>>
      %dma_wait3A_1096 = arith.constant 0 : i32
      %dma_wait3A_1097 = arith.constant 0 : i32
      %dma_wait3A_1098 = tpu.memref_slice %arg2[%dma_wait3A_1096, %dma_wait3A_1097] : memref<100000x64xf32, #tpu.memory_space<hbm>> -> memref<100000x64xf32, #tpu.memory_space<hbm>>
      tpu.wait_indirect_dma semaphore(%arg16 : memref<!tpu.dma_semaphore, #tpu.memory_space<semaphore_mem>>) src(%dma_wait3A_1098 : memref<100000x64xf32, #tpu.memory_space<hbm>>) dst(%dma_wait3A_1092 : memref<128x64xf32, #tpu.memory_space<vmem>>)
      %add3A_1099 = arith.addi %mul3A_2, %add3A_1086 : i32
      %mul3A_1100 = arith.constant 128 : i32
      %mul3A_1101 = arith.muli %add3A_1099, %mul3A_1100 : i32
      %dma_start3A_1102 = arith.constant 9 : i32
      %dma_start3A_1103 = arith.constant 0 : i32
      %dma_start3A_1104 = arith.constant 0 : i32
      %dma_start3A_1105 = tpu.memref_slice %arg6[%dma_start3A_1102, %dma_start3A_1103, %dma_start3A_1104] : memref<10x128x64xf32, #tpu.memory_space<vmem>> -> memref<1x128x64xf32, #tpu.memory_space<vmem>>
      %dma_start3A_1106 = tpu.memref_squeeze %dma_start3A_1105 : memref<1x128x64xf32, #tpu.memory_space<vmem>> -> memref<128x64xf32, #tpu.memory_space<vmem>>
      %dma_start3A_1107 = arith.constant 0 : i32
      %dma_start3A_1108 = tpu.memref_slice %arg4[%mul3A_1101, %dma_start3A_1107] : memref<819200x64xf32, #tpu.memory_space<hbm>> -> memref<128x64xf32, #tpu.memory_space<hbm>>
      %dma_start3A_1109 = arith.constant 0 : i32
      %dma_start3A_1110 = tpu.memref_slice %arg4[%mul3A_1101, %dma_start3A_1109] : memref<819200x64xf32, #tpu.memory_space<hbm>> -> memref<128x64xf32, #tpu.memory_space<hbm>>
      %dma_start3A_1111 = arith.constant 0 : i32
      %dma_start3A_1112 = arith.constant 0 : i32
      %dma_start3A_1113 = tpu.memref_slice %arg6[%dma_start3A_1102, %dma_start3A_1111, %dma_start3A_1112] : memref<10x128x64xf32, #tpu.memory_space<vmem>> -> memref<1x128x64xf32, #tpu.memory_space<vmem>>
      %dma_start3A_1114 = tpu.memref_squeeze %dma_start3A_1113 : memref<1x128x64xf32, #tpu.memory_space<vmem>> -> memref<128x64xf32, #tpu.memory_space<vmem>>
      tpu.enqueue_dma source(%dma_start3A_1114 : memref<128x64xf32, #tpu.memory_space<vmem>>) target(%dma_start3A_1110 : memref<128x64xf32, #tpu.memory_space<hbm>>) target_semaphore(%arg26 : memref<!tpu.dma_semaphore, #tpu.memory_space<semaphore_mem>>)
      %mul3A_1115 = arith.constant 128 : i32
      %mul3A_1116 = arith.muli %mul3A_2, %mul3A_1115 : i32
      %dma_wait3A_1117 = arith.constant 8 : i32
      %dma_wait3A_1118 = arith.constant 0 : i32
      %dma_wait3A_1119 = arith.constant 0 : i32
      %dma_wait3A_1120 = tpu.memref_slice %arg6[%dma_wait3A_1117, %dma_wait3A_1118, %dma_wait3A_1119] : memref<10x128x64xf32, #tpu.memory_space<vmem>> -> memref<1x128x64xf32, #tpu.memory_space<vmem>>
      %dma_wait3A_1121 = tpu.memref_squeeze %dma_wait3A_1120 : memref<1x128x64xf32, #tpu.memory_space<vmem>> -> memref<128x64xf32, #tpu.memory_space<vmem>>
      %dma_wait3A_1122 = arith.constant 0 : i32
      %dma_wait3A_1123 = tpu.memref_slice %arg4[%mul3A_1116, %dma_wait3A_1122] : memref<819200x64xf32, #tpu.memory_space<hbm>> -> memref<128x64xf32, #tpu.memory_space<hbm>>
      %dma_wait3A_1124 = arith.constant 0 : i32
      %dma_wait3A_1125 = tpu.memref_slice %arg4[%mul3A_1116, %dma_wait3A_1124] : memref<819200x64xf32, #tpu.memory_space<hbm>> -> memref<128x64xf32, #tpu.memory_space<hbm>>
      %dma_wait3A_1126 = arith.constant 0 : i32
      %dma_wait3A_1127 = arith.constant 0 : i32
      %dma_wait3A_1128 = tpu.memref_slice %arg6[%dma_wait3A_1117, %dma_wait3A_1126, %dma_wait3A_1127] : memref<10x128x64xf32, #tpu.memory_space<vmem>> -> memref<1x128x64xf32, #tpu.memory_space<vmem>>
      %dma_wait3A_1129 = tpu.memref_squeeze %dma_wait3A_1128 : memref<1x128x64xf32, #tpu.memory_space<vmem>> -> memref<128x64xf32, #tpu.memory_space<vmem>>
      tpu.wait_dma2 semaphore(%arg25 : memref<!tpu.dma_semaphore, #tpu.memory_space<semaphore_mem>>) src(%dma_wait3A_1129 : memref<128x64xf32, #tpu.memory_space<vmem>>) dst(%dma_wait3A_1125 : memref<128x64xf32, #tpu.memory_space<hbm>>)
      %add3A_1130 = arith.constant 10 : i32
      %add3A_1131 = arith.addi %add3A_1086, %add3A_1130 : i32
      %sub3A_1132 = arith.constant 1 : i32
      %sub3A_1133 = arith.subi %add3A_1131, %sub3A_1132 : i32
      %dma_start3A_1134 = arith.constant 8 : i32
      %dma_start3A_1135 = arith.constant 0 : i32
      %dma_start3A_1136 = arith.constant 0 : i32
      %dma_start3A_1137 = tpu.memref_slice %arg6[%dma_start3A_1134, %dma_start3A_1135, %dma_start3A_1136] : memref<10x128x64xf32, #tpu.memory_space<vmem>> -> memref<1x128x64xf32, #tpu.memory_space<vmem>>
      %dma_start3A_1138 = tpu.memref_squeeze %dma_start3A_1137 : memref<1x128x64xf32, #tpu.memory_space<vmem>> -> memref<128x64xf32, #tpu.memory_space<vmem>>
      %dma_start3A_1139 = arith.constant 0 : i32
      %dma_start3A_1140 = tpu.memref_slice %arg5[%sub3A_1133, %dma_start3A_1139] : memref<200x128xi32, #tpu.memory_space<vmem>> -> memref<1x128xi32, #tpu.memory_space<vmem>>
      %dma_start3A_1141 = tpu.memref_squeeze %dma_start3A_1140 : memref<1x128xi32, #tpu.memory_space<vmem>> -> memref<128xi32, #tpu.memory_space<vmem>>
      %dma_start3A_1142 = arith.constant 0 : i32
      %dma_start3A_1143 = arith.constant 0 : i32
      %dma_start3A_1144 = tpu.memref_slice %arg2[%dma_start3A_1142, %dma_start3A_1143] : memref<100000x64xf32, #tpu.memory_space<hbm>> -> memref<100000x64xf32, #tpu.memory_space<hbm>>
      tpu.enqueue_indirect_dma source(%dma_start3A_1144 : memref<100000x64xf32, #tpu.memory_space<hbm>>) target(%dma_start3A_1138 : memref<128x64xf32, #tpu.memory_space<vmem>>) offsets(%dma_start3A_1141 : memref<128xi32, #tpu.memory_space<vmem>>) semaphore(%arg15 : memref<!tpu.dma_semaphore, #tpu.memory_space<semaphore_mem>>)
      %mul3A_1145 = arith.constant 10 : i32
      %mul3A_1146 = arith.muli %add3A_569, %mul3A_1145 : i32
      %add3A_1147 = arith.constant 1 : i32
      %add3A_1148 = arith.addi %add3A_1147, %mul3A_1146 : i32
      %add3A_1149 = arith.constant 9 : i32
      %add3A_1150 = arith.addi %add3A_1148, %add3A_1149 : i32
      %dma_wait3A_1151 = arith.constant 0 : i32
      %dma_wait3A_1152 = arith.constant 0 : i32
      %dma_wait3A_1153 = arith.constant 0 : i32
      %dma_wait3A_1154 = arith.constant 0 : i32
      %dma_wait3A_1155 = tpu.memref_slice %arg6[%dma_wait3A_1152, %dma_wait3A_1153, %dma_wait3A_1154] : memref<10x128x64xf32, #tpu.memory_space<vmem>> -> memref<1x128x64xf32, #tpu.memory_space<vmem>>
      %dma_wait3A_1156 = tpu.memref_squeeze %dma_wait3A_1155 : memref<1x128x64xf32, #tpu.memory_space<vmem>> -> memref<128x64xf32, #tpu.memory_space<vmem>>
      %dma_wait3A_1157 = arith.constant 0 : i32
      %dma_wait3A_1158 = tpu.memref_slice %arg5[%dma_wait3A_1151, %dma_wait3A_1157] : memref<200x128xi32, #tpu.memory_space<vmem>> -> memref<1x128xi32, #tpu.memory_space<vmem>>
      %dma_wait3A_1159 = tpu.memref_squeeze %dma_wait3A_1158 : memref<1x128xi32, #tpu.memory_space<vmem>> -> memref<128xi32, #tpu.memory_space<vmem>>
      %dma_wait3A_1160 = arith.constant 0 : i32
      %dma_wait3A_1161 = arith.constant 0 : i32
      %dma_wait3A_1162 = tpu.memref_slice %arg2[%dma_wait3A_1160, %dma_wait3A_1161] : memref<100000x64xf32, #tpu.memory_space<hbm>> -> memref<100000x64xf32, #tpu.memory_space<hbm>>
      tpu.wait_indirect_dma semaphore(%arg7 : memref<!tpu.dma_semaphore, #tpu.memory_space<semaphore_mem>>) src(%dma_wait3A_1162 : memref<100000x64xf32, #tpu.memory_space<hbm>>) dst(%dma_wait3A_1156 : memref<128x64xf32, #tpu.memory_space<vmem>>)
      %add3A_1163 = arith.addi %mul3A_2, %add3A_1150 : i32
      %mul3A_1164 = arith.constant 128 : i32
      %mul3A_1165 = arith.muli %add3A_1163, %mul3A_1164 : i32
      %dma_start3A_1166 = arith.constant 0 : i32
      %dma_start3A_1167 = arith.constant 0 : i32
      %dma_start3A_1168 = arith.constant 0 : i32
      %dma_start3A_1169 = tpu.memref_slice %arg6[%dma_start3A_1166, %dma_start3A_1167, %dma_start3A_1168] : memref<10x128x64xf32, #tpu.memory_space<vmem>> -> memref<1x128x64xf32, #tpu.memory_space<vmem>>
      %dma_start3A_1170 = tpu.memref_squeeze %dma_start3A_1169 : memref<1x128x64xf32, #tpu.memory_space<vmem>> -> memref<128x64xf32, #tpu.memory_space<vmem>>
      %dma_start3A_1171 = arith.constant 0 : i32
      %dma_start3A_1172 = tpu.memref_slice %arg4[%mul3A_1165, %dma_start3A_1171] : memref<819200x64xf32, #tpu.memory_space<hbm>> -> memref<128x64xf32, #tpu.memory_space<hbm>>
      %dma_start3A_1173 = arith.constant 0 : i32
      %dma_start3A_1174 = tpu.memref_slice %arg4[%mul3A_1165, %dma_start3A_1173] : memref<819200x64xf32, #tpu.memory_space<hbm>> -> memref<128x64xf32, #tpu.memory_space<hbm>>
      %dma_start3A_1175 = arith.constant 0 : i32
      %dma_start3A_1176 = arith.constant 0 : i32
      %dma_start3A_1177 = tpu.memref_slice %arg6[%dma_start3A_1166, %dma_start3A_1175, %dma_start3A_1176] : memref<10x128x64xf32, #tpu.memory_space<vmem>> -> memref<1x128x64xf32, #tpu.memory_space<vmem>>
      %dma_start3A_1178 = tpu.memref_squeeze %dma_start3A_1177 : memref<1x128x64xf32, #tpu.memory_space<vmem>> -> memref<128x64xf32, #tpu.memory_space<vmem>>
      tpu.enqueue_dma source(%dma_start3A_1178 : memref<128x64xf32, #tpu.memory_space<vmem>>) target(%dma_start3A_1174 : memref<128x64xf32, #tpu.memory_space<hbm>>) target_semaphore(%arg17 : memref<!tpu.dma_semaphore, #tpu.memory_space<semaphore_mem>>)
      %mul3A_1179 = arith.constant 128 : i32
      %mul3A_1180 = arith.muli %mul3A_2, %mul3A_1179 : i32
      %dma_wait3A_1181 = arith.constant 9 : i32
      %dma_wait3A_1182 = arith.constant 0 : i32
      %dma_wait3A_1183 = arith.constant 0 : i32
      %dma_wait3A_1184 = tpu.memref_slice %arg6[%dma_wait3A_1181, %dma_wait3A_1182, %dma_wait3A_1183] : memref<10x128x64xf32, #tpu.memory_space<vmem>> -> memref<1x128x64xf32, #tpu.memory_space<vmem>>
      %dma_wait3A_1185 = tpu.memref_squeeze %dma_wait3A_1184 : memref<1x128x64xf32, #tpu.memory_space<vmem>> -> memref<128x64xf32, #tpu.memory_space<vmem>>
      %dma_wait3A_1186 = arith.constant 0 : i32
      %dma_wait3A_1187 = tpu.memref_slice %arg4[%mul3A_1180, %dma_wait3A_1186] : memref<819200x64xf32, #tpu.memory_space<hbm>> -> memref<128x64xf32, #tpu.memory_space<hbm>>
      %dma_wait3A_1188 = arith.constant 0 : i32
      %dma_wait3A_1189 = tpu.memref_slice %arg4[%mul3A_1180, %dma_wait3A_1188] : memref<819200x64xf32, #tpu.memory_space<hbm>> -> memref<128x64xf32, #tpu.memory_space<hbm>>
      %dma_wait3A_1190 = arith.constant 0 : i32
      %dma_wait3A_1191 = arith.constant 0 : i32
      %dma_wait3A_1192 = tpu.memref_slice %arg6[%dma_wait3A_1181, %dma_wait3A_1190, %dma_wait3A_1191] : memref<10x128x64xf32, #tpu.memory_space<vmem>> -> memref<1x128x64xf32, #tpu.memory_space<vmem>>
      %dma_wait3A_1193 = tpu.memref_squeeze %dma_wait3A_1192 : memref<1x128x64xf32, #tpu.memory_space<vmem>> -> memref<128x64xf32, #tpu.memory_space<vmem>>
      tpu.wait_dma2 semaphore(%arg26 : memref<!tpu.dma_semaphore, #tpu.memory_space<semaphore_mem>>) src(%dma_wait3A_1193 : memref<128x64xf32, #tpu.memory_space<vmem>>) dst(%dma_wait3A_1189 : memref<128x64xf32, #tpu.memory_space<hbm>>)
      %add3A_1194 = arith.constant 10 : i32
      %add3A_1195 = arith.addi %add3A_1150, %add3A_1194 : i32
      %sub3A_1196 = arith.constant 1 : i32
      %sub3A_1197 = arith.subi %add3A_1195, %sub3A_1196 : i32
      %dma_start3A_1198 = arith.constant 9 : i32
      %dma_start3A_1199 = arith.constant 0 : i32
      %dma_start3A_1200 = arith.constant 0 : i32
      %dma_start3A_1201 = tpu.memref_slice %arg6[%dma_start3A_1198, %dma_start3A_1199, %dma_start3A_1200] : memref<10x128x64xf32, #tpu.memory_space<vmem>> -> memref<1x128x64xf32, #tpu.memory_space<vmem>>
      %dma_start3A_1202 = tpu.memref_squeeze %dma_start3A_1201 : memref<1x128x64xf32, #tpu.memory_space<vmem>> -> memref<128x64xf32, #tpu.memory_space<vmem>>
      %dma_start3A_1203 = arith.constant 0 : i32
      %dma_start3A_1204 = tpu.memref_slice %arg5[%sub3A_1197, %dma_start3A_1203] : memref<200x128xi32, #tpu.memory_space<vmem>> -> memref<1x128xi32, #tpu.memory_space<vmem>>
      %dma_start3A_1205 = tpu.memref_squeeze %dma_start3A_1204 : memref<1x128xi32, #tpu.memory_space<vmem>> -> memref<128xi32, #tpu.memory_space<vmem>>
      %dma_start3A_1206 = arith.constant 0 : i32
      %dma_start3A_1207 = arith.constant 0 : i32
      %dma_start3A_1208 = tpu.memref_slice %arg2[%dma_start3A_1206, %dma_start3A_1207] : memref<100000x64xf32, #tpu.memory_space<hbm>> -> memref<100000x64xf32, #tpu.memory_space<hbm>>
      tpu.enqueue_indirect_dma source(%dma_start3A_1208 : memref<100000x64xf32, #tpu.memory_space<hbm>>) target(%dma_start3A_1202 : memref<128x64xf32, #tpu.memory_space<vmem>>) offsets(%dma_start3A_1205 : memref<128xi32, #tpu.memory_space<vmem>>) semaphore(%arg16 : memref<!tpu.dma_semaphore, #tpu.memory_space<semaphore_mem>>)
    }
    %scan3A_153 = arith.constant 19 : i32
    %dma_wait3A_154 = arith.constant 0 : i32
    %dma_wait3A_155 = arith.constant 1 : i32
    %dma_wait3A_156 = arith.constant 0 : i32
    %dma_wait3A_157 = arith.constant 0 : i32
    %dma_wait3A_158 = tpu.memref_slice %arg6[%dma_wait3A_155, %dma_wait3A_156, %dma_wait3A_157] : memref<10x128x64xf32, #tpu.memory_space<vmem>> -> memref<1x128x64xf32, #tpu.memory_space<vmem>>
    %dma_wait3A_159 = tpu.memref_squeeze %dma_wait3A_158 : memref<1x128x64xf32, #tpu.memory_space<vmem>> -> memref<128x64xf32, #tpu.memory_space<vmem>>
    %dma_wait3A_160 = arith.constant 0 : i32
    %dma_wait3A_161 = tpu.memref_slice %arg5[%dma_wait3A_154, %dma_wait3A_160] : memref<200x128xi32, #tpu.memory_space<vmem>> -> memref<1x128xi32, #tpu.memory_space<vmem>>
    %dma_wait3A_162 = tpu.memref_squeeze %dma_wait3A_161 : memref<1x128xi32, #tpu.memory_space<vmem>> -> memref<128xi32, #tpu.memory_space<vmem>>
    %dma_wait3A_163 = arith.constant 0 : i32
    %dma_wait3A_164 = arith.constant 0 : i32
    %dma_wait3A_165 = tpu.memref_slice %arg2[%dma_wait3A_163, %dma_wait3A_164] : memref<100000x64xf32, #tpu.memory_space<hbm>> -> memref<100000x64xf32, #tpu.memory_space<hbm>>
    tpu.wait_indirect_dma semaphore(%arg8 : memref<!tpu.dma_semaphore, #tpu.memory_space<semaphore_mem>>) src(%dma_wait3A_165 : memref<100000x64xf32, #tpu.memory_space<hbm>>) dst(%dma_wait3A_159 : memref<128x64xf32, #tpu.memory_space<vmem>>)
    %add3A_166 = arith.constant 191 : i32
    %add3A_167 = arith.addi %mul3A_2, %add3A_166 : i32
    %mul3A_168 = arith.constant 128 : i32
    %mul3A_169 = arith.muli %add3A_167, %mul3A_168 : i32
    %dma_start3A_170 = arith.constant 1 : i32
    %dma_start3A_171 = arith.constant 0 : i32
    %dma_start3A_172 = arith.constant 0 : i32
    %dma_start3A_173 = tpu.memref_slice %arg6[%dma_start3A_170, %dma_start3A_171, %dma_start3A_172] : memref<10x128x64xf32, #tpu.memory_space<vmem>> -> memref<1x128x64xf32, #tpu.memory_space<vmem>>
    %dma_start3A_174 = tpu.memref_squeeze %dma_start3A_173 : memref<1x128x64xf32, #tpu.memory_space<vmem>> -> memref<128x64xf32, #tpu.memory_space<vmem>>
    %dma_start3A_175 = arith.constant 0 : i32
    %dma_start3A_176 = tpu.memref_slice %arg4[%mul3A_169, %dma_start3A_175] : memref<819200x64xf32, #tpu.memory_space<hbm>> -> memref<128x64xf32, #tpu.memory_space<hbm>>
    %dma_start3A_177 = arith.constant 0 : i32
    %dma_start3A_178 = tpu.memref_slice %arg4[%mul3A_169, %dma_start3A_177] : memref<819200x64xf32, #tpu.memory_space<hbm>> -> memref<128x64xf32, #tpu.memory_space<hbm>>
    %dma_start3A_179 = arith.constant 0 : i32
    %dma_start3A_180 = arith.constant 0 : i32
    %dma_start3A_181 = tpu.memref_slice %arg6[%dma_start3A_170, %dma_start3A_179, %dma_start3A_180] : memref<10x128x64xf32, #tpu.memory_space<vmem>> -> memref<1x128x64xf32, #tpu.memory_space<vmem>>
    %dma_start3A_182 = tpu.memref_squeeze %dma_start3A_181 : memref<1x128x64xf32, #tpu.memory_space<vmem>> -> memref<128x64xf32, #tpu.memory_space<vmem>>
    tpu.enqueue_dma source(%dma_start3A_182 : memref<128x64xf32, #tpu.memory_space<vmem>>) target(%dma_start3A_178 : memref<128x64xf32, #tpu.memory_space<hbm>>) target_semaphore(%arg18 : memref<!tpu.dma_semaphore, #tpu.memory_space<semaphore_mem>>)
    %dma_wait3A_183 = arith.constant 0 : i32
    %dma_wait3A_184 = arith.constant 2 : i32
    %dma_wait3A_185 = arith.constant 0 : i32
    %dma_wait3A_186 = arith.constant 0 : i32
    %dma_wait3A_187 = tpu.memref_slice %arg6[%dma_wait3A_184, %dma_wait3A_185, %dma_wait3A_186] : memref<10x128x64xf32, #tpu.memory_space<vmem>> -> memref<1x128x64xf32, #tpu.memory_space<vmem>>
    %dma_wait3A_188 = tpu.memref_squeeze %dma_wait3A_187 : memref<1x128x64xf32, #tpu.memory_space<vmem>> -> memref<128x64xf32, #tpu.memory_space<vmem>>
    %dma_wait3A_189 = arith.constant 0 : i32
    %dma_wait3A_190 = tpu.memref_slice %arg5[%dma_wait3A_183, %dma_wait3A_189] : memref<200x128xi32, #tpu.memory_space<vmem>> -> memref<1x128xi32, #tpu.memory_space<vmem>>
    %dma_wait3A_191 = tpu.memref_squeeze %dma_wait3A_190 : memref<1x128xi32, #tpu.memory_space<vmem>> -> memref<128xi32, #tpu.memory_space<vmem>>
    %dma_wait3A_192 = arith.constant 0 : i32
    %dma_wait3A_193 = arith.constant 0 : i32
    %dma_wait3A_194 = tpu.memref_slice %arg2[%dma_wait3A_192, %dma_wait3A_193] : memref<100000x64xf32, #tpu.memory_space<hbm>> -> memref<100000x64xf32, #tpu.memory_space<hbm>>
    tpu.wait_indirect_dma semaphore(%arg9 : memref<!tpu.dma_semaphore, #tpu.memory_space<semaphore_mem>>) src(%dma_wait3A_194 : memref<100000x64xf32, #tpu.memory_space<hbm>>) dst(%dma_wait3A_188 : memref<128x64xf32, #tpu.memory_space<vmem>>)
    %add3A_195 = arith.constant 192 : i32
    %add3A_196 = arith.addi %mul3A_2, %add3A_195 : i32
    %mul3A_197 = arith.constant 128 : i32
    %mul3A_198 = arith.muli %add3A_196, %mul3A_197 : i32
    %dma_start3A_199 = arith.constant 2 : i32
    %dma_start3A_200 = arith.constant 0 : i32
    %dma_start3A_201 = arith.constant 0 : i32
    %dma_start3A_202 = tpu.memref_slice %arg6[%dma_start3A_199, %dma_start3A_200, %dma_start3A_201] : memref<10x128x64xf32, #tpu.memory_space<vmem>> -> memref<1x128x64xf32, #tpu.memory_space<vmem>>
    %dma_start3A_203 = tpu.memref_squeeze %dma_start3A_202 : memref<1x128x64xf32, #tpu.memory_space<vmem>> -> memref<128x64xf32, #tpu.memory_space<vmem>>
    %dma_start3A_204 = arith.constant 0 : i32
    %dma_start3A_205 = tpu.memref_slice %arg4[%mul3A_198, %dma_start3A_204] : memref<819200x64xf32, #tpu.memory_space<hbm>> -> memref<128x64xf32, #tpu.memory_space<hbm>>
    %dma_start3A_206 = arith.constant 0 : i32
    %dma_start3A_207 = tpu.memref_slice %arg4[%mul3A_198, %dma_start3A_206] : memref<819200x64xf32, #tpu.memory_space<hbm>> -> memref<128x64xf32, #tpu.memory_space<hbm>>
    %dma_start3A_208 = arith.constant 0 : i32
    %dma_start3A_209 = arith.constant 0 : i32
    %dma_start3A_210 = tpu.memref_slice %arg6[%dma_start3A_199, %dma_start3A_208, %dma_start3A_209] : memref<10x128x64xf32, #tpu.memory_space<vmem>> -> memref<1x128x64xf32, #tpu.memory_space<vmem>>
    %dma_start3A_211 = tpu.memref_squeeze %dma_start3A_210 : memref<1x128x64xf32, #tpu.memory_space<vmem>> -> memref<128x64xf32, #tpu.memory_space<vmem>>
    tpu.enqueue_dma source(%dma_start3A_211 : memref<128x64xf32, #tpu.memory_space<vmem>>) target(%dma_start3A_207 : memref<128x64xf32, #tpu.memory_space<hbm>>) target_semaphore(%arg19 : memref<!tpu.dma_semaphore, #tpu.memory_space<semaphore_mem>>)
    %dma_wait3A_212 = arith.constant 0 : i32
    %dma_wait3A_213 = arith.constant 3 : i32
    %dma_wait3A_214 = arith.constant 0 : i32
    %dma_wait3A_215 = arith.constant 0 : i32
    %dma_wait3A_216 = tpu.memref_slice %arg6[%dma_wait3A_213, %dma_wait3A_214, %dma_wait3A_215] : memref<10x128x64xf32, #tpu.memory_space<vmem>> -> memref<1x128x64xf32, #tpu.memory_space<vmem>>
    %dma_wait3A_217 = tpu.memref_squeeze %dma_wait3A_216 : memref<1x128x64xf32, #tpu.memory_space<vmem>> -> memref<128x64xf32, #tpu.memory_space<vmem>>
    %dma_wait3A_218 = arith.constant 0 : i32
    %dma_wait3A_219 = tpu.memref_slice %arg5[%dma_wait3A_212, %dma_wait3A_218] : memref<200x128xi32, #tpu.memory_space<vmem>> -> memref<1x128xi32, #tpu.memory_space<vmem>>
    %dma_wait3A_220 = tpu.memref_squeeze %dma_wait3A_219 : memref<1x128xi32, #tpu.memory_space<vmem>> -> memref<128xi32, #tpu.memory_space<vmem>>
    %dma_wait3A_221 = arith.constant 0 : i32
    %dma_wait3A_222 = arith.constant 0 : i32
    %dma_wait3A_223 = tpu.memref_slice %arg2[%dma_wait3A_221, %dma_wait3A_222] : memref<100000x64xf32, #tpu.memory_space<hbm>> -> memref<100000x64xf32, #tpu.memory_space<hbm>>
    tpu.wait_indirect_dma semaphore(%arg10 : memref<!tpu.dma_semaphore, #tpu.memory_space<semaphore_mem>>) src(%dma_wait3A_223 : memref<100000x64xf32, #tpu.memory_space<hbm>>) dst(%dma_wait3A_217 : memref<128x64xf32, #tpu.memory_space<vmem>>)
    %add3A_224 = arith.constant 193 : i32
    %add3A_225 = arith.addi %mul3A_2, %add3A_224 : i32
    %mul3A_226 = arith.constant 128 : i32
    %mul3A_227 = arith.muli %add3A_225, %mul3A_226 : i32
    %dma_start3A_228 = arith.constant 3 : i32
    %dma_start3A_229 = arith.constant 0 : i32
    %dma_start3A_230 = arith.constant 0 : i32
    %dma_start3A_231 = tpu.memref_slice %arg6[%dma_start3A_228, %dma_start3A_229, %dma_start3A_230] : memref<10x128x64xf32, #tpu.memory_space<vmem>> -> memref<1x128x64xf32, #tpu.memory_space<vmem>>
    %dma_start3A_232 = tpu.memref_squeeze %dma_start3A_231 : memref<1x128x64xf32, #tpu.memory_space<vmem>> -> memref<128x64xf32, #tpu.memory_space<vmem>>
    %dma_start3A_233 = arith.constant 0 : i32
    %dma_start3A_234 = tpu.memref_slice %arg4[%mul3A_227, %dma_start3A_233] : memref<819200x64xf32, #tpu.memory_space<hbm>> -> memref<128x64xf32, #tpu.memory_space<hbm>>
    %dma_start3A_235 = arith.constant 0 : i32
    %dma_start3A_236 = tpu.memref_slice %arg4[%mul3A_227, %dma_start3A_235] : memref<819200x64xf32, #tpu.memory_space<hbm>> -> memref<128x64xf32, #tpu.memory_space<hbm>>
    %dma_start3A_237 = arith.constant 0 : i32
    %dma_start3A_238 = arith.constant 0 : i32
    %dma_start3A_239 = tpu.memref_slice %arg6[%dma_start3A_228, %dma_start3A_237, %dma_start3A_238] : memref<10x128x64xf32, #tpu.memory_space<vmem>> -> memref<1x128x64xf32, #tpu.memory_space<vmem>>
    %dma_start3A_240 = tpu.memref_squeeze %dma_start3A_239 : memref<1x128x64xf32, #tpu.memory_space<vmem>> -> memref<128x64xf32, #tpu.memory_space<vmem>>
    tpu.enqueue_dma source(%dma_start3A_240 : memref<128x64xf32, #tpu.memory_space<vmem>>) target(%dma_start3A_236 : memref<128x64xf32, #tpu.memory_space<hbm>>) target_semaphore(%arg20 : memref<!tpu.dma_semaphore, #tpu.memory_space<semaphore_mem>>)
    %dma_wait3A_241 = arith.constant 0 : i32
    %dma_wait3A_242 = arith.constant 4 : i32
    %dma_wait3A_243 = arith.constant 0 : i32
    %dma_wait3A_244 = arith.constant 0 : i32
    %dma_wait3A_245 = tpu.memref_slice %arg6[%dma_wait3A_242, %dma_wait3A_243, %dma_wait3A_244] : memref<10x128x64xf32, #tpu.memory_space<vmem>> -> memref<1x128x64xf32, #tpu.memory_space<vmem>>
    %dma_wait3A_246 = tpu.memref_squeeze %dma_wait3A_245 : memref<1x128x64xf32, #tpu.memory_space<vmem>> -> memref<128x64xf32, #tpu.memory_space<vmem>>
    %dma_wait3A_247 = arith.constant 0 : i32
    %dma_wait3A_248 = tpu.memref_slice %arg5[%dma_wait3A_241, %dma_wait3A_247] : memref<200x128xi32, #tpu.memory_space<vmem>> -> memref<1x128xi32, #tpu.memory_space<vmem>>
    %dma_wait3A_249 = tpu.memref_squeeze %dma_wait3A_248 : memref<1x128xi32, #tpu.memory_space<vmem>> -> memref<128xi32, #tpu.memory_space<vmem>>
    %dma_wait3A_250 = arith.constant 0 : i32
    %dma_wait3A_251 = arith.constant 0 : i32
    %dma_wait3A_252 = tpu.memref_slice %arg2[%dma_wait3A_250, %dma_wait3A_251] : memref<100000x64xf32, #tpu.memory_space<hbm>> -> memref<100000x64xf32, #tpu.memory_space<hbm>>
    tpu.wait_indirect_dma semaphore(%arg11 : memref<!tpu.dma_semaphore, #tpu.memory_space<semaphore_mem>>) src(%dma_wait3A_252 : memref<100000x64xf32, #tpu.memory_space<hbm>>) dst(%dma_wait3A_246 : memref<128x64xf32, #tpu.memory_space<vmem>>)
    %add3A_253 = arith.constant 194 : i32
    %add3A_254 = arith.addi %mul3A_2, %add3A_253 : i32
    %mul3A_255 = arith.constant 128 : i32
    %mul3A_256 = arith.muli %add3A_254, %mul3A_255 : i32
    %dma_start3A_257 = arith.constant 4 : i32
    %dma_start3A_258 = arith.constant 0 : i32
    %dma_start3A_259 = arith.constant 0 : i32
    %dma_start3A_260 = tpu.memref_slice %arg6[%dma_start3A_257, %dma_start3A_258, %dma_start3A_259] : memref<10x128x64xf32, #tpu.memory_space<vmem>> -> memref<1x128x64xf32, #tpu.memory_space<vmem>>
    %dma_start3A_261 = tpu.memref_squeeze %dma_start3A_260 : memref<1x128x64xf32, #tpu.memory_space<vmem>> -> memref<128x64xf32, #tpu.memory_space<vmem>>
    %dma_start3A_262 = arith.constant 0 : i32
    %dma_start3A_263 = tpu.memref_slice %arg4[%mul3A_256, %dma_start3A_262] : memref<819200x64xf32, #tpu.memory_space<hbm>> -> memref<128x64xf32, #tpu.memory_space<hbm>>
    %dma_start3A_264 = arith.constant 0 : i32
    %dma_start3A_265 = tpu.memref_slice %arg4[%mul3A_256, %dma_start3A_264] : memref<819200x64xf32, #tpu.memory_space<hbm>> -> memref<128x64xf32, #tpu.memory_space<hbm>>
    %dma_start3A_266 = arith.constant 0 : i32
    %dma_start3A_267 = arith.constant 0 : i32
    %dma_start3A_268 = tpu.memref_slice %arg6[%dma_start3A_257, %dma_start3A_266, %dma_start3A_267] : memref<10x128x64xf32, #tpu.memory_space<vmem>> -> memref<1x128x64xf32, #tpu.memory_space<vmem>>
    %dma_start3A_269 = tpu.memref_squeeze %dma_start3A_268 : memref<1x128x64xf32, #tpu.memory_space<vmem>> -> memref<128x64xf32, #tpu.memory_space<vmem>>
    tpu.enqueue_dma source(%dma_start3A_269 : memref<128x64xf32, #tpu.memory_space<vmem>>) target(%dma_start3A_265 : memref<128x64xf32, #tpu.memory_space<hbm>>) target_semaphore(%arg21 : memref<!tpu.dma_semaphore, #tpu.memory_space<semaphore_mem>>)
    %dma_wait3A_270 = arith.constant 0 : i32
    %dma_wait3A_271 = arith.constant 5 : i32
    %dma_wait3A_272 = arith.constant 0 : i32
    %dma_wait3A_273 = arith.constant 0 : i32
    %dma_wait3A_274 = tpu.memref_slice %arg6[%dma_wait3A_271, %dma_wait3A_272, %dma_wait3A_273] : memref<10x128x64xf32, #tpu.memory_space<vmem>> -> memref<1x128x64xf32, #tpu.memory_space<vmem>>
    %dma_wait3A_275 = tpu.memref_squeeze %dma_wait3A_274 : memref<1x128x64xf32, #tpu.memory_space<vmem>> -> memref<128x64xf32, #tpu.memory_space<vmem>>
    %dma_wait3A_276 = arith.constant 0 : i32
    %dma_wait3A_277 = tpu.memref_slice %arg5[%dma_wait3A_270, %dma_wait3A_276] : memref<200x128xi32, #tpu.memory_space<vmem>> -> memref<1x128xi32, #tpu.memory_space<vmem>>
    %dma_wait3A_278 = tpu.memref_squeeze %dma_wait3A_277 : memref<1x128xi32, #tpu.memory_space<vmem>> -> memref<128xi32, #tpu.memory_space<vmem>>
    %dma_wait3A_279 = arith.constant 0 : i32
    %dma_wait3A_280 = arith.constant 0 : i32
    %dma_wait3A_281 = tpu.memref_slice %arg2[%dma_wait3A_279, %dma_wait3A_280] : memref<100000x64xf32, #tpu.memory_space<hbm>> -> memref<100000x64xf32, #tpu.memory_space<hbm>>
    tpu.wait_indirect_dma semaphore(%arg12 : memref<!tpu.dma_semaphore, #tpu.memory_space<semaphore_mem>>) src(%dma_wait3A_281 : memref<100000x64xf32, #tpu.memory_space<hbm>>) dst(%dma_wait3A_275 : memref<128x64xf32, #tpu.memory_space<vmem>>)
    %add3A_282 = arith.constant 195 : i32
    %add3A_283 = arith.addi %mul3A_2, %add3A_282 : i32
    %mul3A_284 = arith.constant 128 : i32
    %mul3A_285 = arith.muli %add3A_283, %mul3A_284 : i32
    %dma_start3A_286 = arith.constant 5 : i32
    %dma_start3A_287 = arith.constant 0 : i32
    %dma_start3A_288 = arith.constant 0 : i32
    %dma_start3A_289 = tpu.memref_slice %arg6[%dma_start3A_286, %dma_start3A_287, %dma_start3A_288] : memref<10x128x64xf32, #tpu.memory_space<vmem>> -> memref<1x128x64xf32, #tpu.memory_space<vmem>>
    %dma_start3A_290 = tpu.memref_squeeze %dma_start3A_289 : memref<1x128x64xf32, #tpu.memory_space<vmem>> -> memref<128x64xf32, #tpu.memory_space<vmem>>
    %dma_start3A_291 = arith.constant 0 : i32
    %dma_start3A_292 = tpu.memref_slice %arg4[%mul3A_285, %dma_start3A_291] : memref<819200x64xf32, #tpu.memory_space<hbm>> -> memref<128x64xf32, #tpu.memory_space<hbm>>
    %dma_start3A_293 = arith.constant 0 : i32
    %dma_start3A_294 = tpu.memref_slice %arg4[%mul3A_285, %dma_start3A_293] : memref<819200x64xf32, #tpu.memory_space<hbm>> -> memref<128x64xf32, #tpu.memory_space<hbm>>
    %dma_start3A_295 = arith.constant 0 : i32
    %dma_start3A_296 = arith.constant 0 : i32
    %dma_start3A_297 = tpu.memref_slice %arg6[%dma_start3A_286, %dma_start3A_295, %dma_start3A_296] : memref<10x128x64xf32, #tpu.memory_space<vmem>> -> memref<1x128x64xf32, #tpu.memory_space<vmem>>
    %dma_start3A_298 = tpu.memref_squeeze %dma_start3A_297 : memref<1x128x64xf32, #tpu.memory_space<vmem>> -> memref<128x64xf32, #tpu.memory_space<vmem>>
    tpu.enqueue_dma source(%dma_start3A_298 : memref<128x64xf32, #tpu.memory_space<vmem>>) target(%dma_start3A_294 : memref<128x64xf32, #tpu.memory_space<hbm>>) target_semaphore(%arg22 : memref<!tpu.dma_semaphore, #tpu.memory_space<semaphore_mem>>)
    %dma_wait3A_299 = arith.constant 0 : i32
    %dma_wait3A_300 = arith.constant 6 : i32
    %dma_wait3A_301 = arith.constant 0 : i32
    %dma_wait3A_302 = arith.constant 0 : i32
    %dma_wait3A_303 = tpu.memref_slice %arg6[%dma_wait3A_300, %dma_wait3A_301, %dma_wait3A_302] : memref<10x128x64xf32, #tpu.memory_space<vmem>> -> memref<1x128x64xf32, #tpu.memory_space<vmem>>
    %dma_wait3A_304 = tpu.memref_squeeze %dma_wait3A_303 : memref<1x128x64xf32, #tpu.memory_space<vmem>> -> memref<128x64xf32, #tpu.memory_space<vmem>>
    %dma_wait3A_305 = arith.constant 0 : i32
    %dma_wait3A_306 = tpu.memref_slice %arg5[%dma_wait3A_299, %dma_wait3A_305] : memref<200x128xi32, #tpu.memory_space<vmem>> -> memref<1x128xi32, #tpu.memory_space<vmem>>
    %dma_wait3A_307 = tpu.memref_squeeze %dma_wait3A_306 : memref<1x128xi32, #tpu.memory_space<vmem>> -> memref<128xi32, #tpu.memory_space<vmem>>
    %dma_wait3A_308 = arith.constant 0 : i32
    %dma_wait3A_309 = arith.constant 0 : i32
    %dma_wait3A_310 = tpu.memref_slice %arg2[%dma_wait3A_308, %dma_wait3A_309] : memref<100000x64xf32, #tpu.memory_space<hbm>> -> memref<100000x64xf32, #tpu.memory_space<hbm>>
    tpu.wait_indirect_dma semaphore(%arg13 : memref<!tpu.dma_semaphore, #tpu.memory_space<semaphore_mem>>) src(%dma_wait3A_310 : memref<100000x64xf32, #tpu.memory_space<hbm>>) dst(%dma_wait3A_304 : memref<128x64xf32, #tpu.memory_space<vmem>>)
    %add3A_311 = arith.constant 196 : i32
    %add3A_312 = arith.addi %mul3A_2, %add3A_311 : i32
    %mul3A_313 = arith.constant 128 : i32
    %mul3A_314 = arith.muli %add3A_312, %mul3A_313 : i32
    %dma_start3A_315 = arith.constant 6 : i32
    %dma_start3A_316 = arith.constant 0 : i32
    %dma_start3A_317 = arith.constant 0 : i32
    %dma_start3A_318 = tpu.memref_slice %arg6[%dma_start3A_315, %dma_start3A_316, %dma_start3A_317] : memref<10x128x64xf32, #tpu.memory_space<vmem>> -> memref<1x128x64xf32, #tpu.memory_space<vmem>>
    %dma_start3A_319 = tpu.memref_squeeze %dma_start3A_318 : memref<1x128x64xf32, #tpu.memory_space<vmem>> -> memref<128x64xf32, #tpu.memory_space<vmem>>
    %dma_start3A_320 = arith.constant 0 : i32
    %dma_start3A_321 = tpu.memref_slice %arg4[%mul3A_314, %dma_start3A_320] : memref<819200x64xf32, #tpu.memory_space<hbm>> -> memref<128x64xf32, #tpu.memory_space<hbm>>
    %dma_start3A_322 = arith.constant 0 : i32
    %dma_start3A_323 = tpu.memref_slice %arg4[%mul3A_314, %dma_start3A_322] : memref<819200x64xf32, #tpu.memory_space<hbm>> -> memref<128x64xf32, #tpu.memory_space<hbm>>
    %dma_start3A_324 = arith.constant 0 : i32
    %dma_start3A_325 = arith.constant 0 : i32
    %dma_start3A_326 = tpu.memref_slice %arg6[%dma_start3A_315, %dma_start3A_324, %dma_start3A_325] : memref<10x128x64xf32, #tpu.memory_space<vmem>> -> memref<1x128x64xf32, #tpu.memory_space<vmem>>
    %dma_start3A_327 = tpu.memref_squeeze %dma_start3A_326 : memref<1x128x64xf32, #tpu.memory_space<vmem>> -> memref<128x64xf32, #tpu.memory_space<vmem>>
    tpu.enqueue_dma source(%dma_start3A_327 : memref<128x64xf32, #tpu.memory_space<vmem>>) target(%dma_start3A_323 : memref<128x64xf32, #tpu.memory_space<hbm>>) target_semaphore(%arg23 : memref<!tpu.dma_semaphore, #tpu.memory_space<semaphore_mem>>)
    %dma_wait3A_328 = arith.constant 0 : i32
    %dma_wait3A_329 = arith.constant 7 : i32
    %dma_wait3A_330 = arith.constant 0 : i32
    %dma_wait3A_331 = arith.constant 0 : i32
    %dma_wait3A_332 = tpu.memref_slice %arg6[%dma_wait3A_329, %dma_wait3A_330, %dma_wait3A_331] : memref<10x128x64xf32, #tpu.memory_space<vmem>> -> memref<1x128x64xf32, #tpu.memory_space<vmem>>
    %dma_wait3A_333 = tpu.memref_squeeze %dma_wait3A_332 : memref<1x128x64xf32, #tpu.memory_space<vmem>> -> memref<128x64xf32, #tpu.memory_space<vmem>>
    %dma_wait3A_334 = arith.constant 0 : i32
    %dma_wait3A_335 = tpu.memref_slice %arg5[%dma_wait3A_328, %dma_wait3A_334] : memref<200x128xi32, #tpu.memory_space<vmem>> -> memref<1x128xi32, #tpu.memory_space<vmem>>
    %dma_wait3A_336 = tpu.memref_squeeze %dma_wait3A_335 : memref<1x128xi32, #tpu.memory_space<vmem>> -> memref<128xi32, #tpu.memory_space<vmem>>
    %dma_wait3A_337 = arith.constant 0 : i32
    %dma_wait3A_338 = arith.constant 0 : i32
    %dma_wait3A_339 = tpu.memref_slice %arg2[%dma_wait3A_337, %dma_wait3A_338] : memref<100000x64xf32, #tpu.memory_space<hbm>> -> memref<100000x64xf32, #tpu.memory_space<hbm>>
    tpu.wait_indirect_dma semaphore(%arg14 : memref<!tpu.dma_semaphore, #tpu.memory_space<semaphore_mem>>) src(%dma_wait3A_339 : memref<100000x64xf32, #tpu.memory_space<hbm>>) dst(%dma_wait3A_333 : memref<128x64xf32, #tpu.memory_space<vmem>>)
    %add3A_340 = arith.constant 197 : i32
    %add3A_341 = arith.addi %mul3A_2, %add3A_340 : i32
    %mul3A_342 = arith.constant 128 : i32
    %mul3A_343 = arith.muli %add3A_341, %mul3A_342 : i32
    %dma_start3A_344 = arith.constant 7 : i32
    %dma_start3A_345 = arith.constant 0 : i32
    %dma_start3A_346 = arith.constant 0 : i32
    %dma_start3A_347 = tpu.memref_slice %arg6[%dma_start3A_344, %dma_start3A_345, %dma_start3A_346] : memref<10x128x64xf32, #tpu.memory_space<vmem>> -> memref<1x128x64xf32, #tpu.memory_space<vmem>>
    %dma_start3A_348 = tpu.memref_squeeze %dma_start3A_347 : memref<1x128x64xf32, #tpu.memory_space<vmem>> -> memref<128x64xf32, #tpu.memory_space<vmem>>
    %dma_start3A_349 = arith.constant 0 : i32
    %dma_start3A_350 = tpu.memref_slice %arg4[%mul3A_343, %dma_start3A_349] : memref<819200x64xf32, #tpu.memory_space<hbm>> -> memref<128x64xf32, #tpu.memory_space<hbm>>
    %dma_start3A_351 = arith.constant 0 : i32
    %dma_start3A_352 = tpu.memref_slice %arg4[%mul3A_343, %dma_start3A_351] : memref<819200x64xf32, #tpu.memory_space<hbm>> -> memref<128x64xf32, #tpu.memory_space<hbm>>
    %dma_start3A_353 = arith.constant 0 : i32
    %dma_start3A_354 = arith.constant 0 : i32
    %dma_start3A_355 = tpu.memref_slice %arg6[%dma_start3A_344, %dma_start3A_353, %dma_start3A_354] : memref<10x128x64xf32, #tpu.memory_space<vmem>> -> memref<1x128x64xf32, #tpu.memory_space<vmem>>
    %dma_start3A_356 = tpu.memref_squeeze %dma_start3A_355 : memref<1x128x64xf32, #tpu.memory_space<vmem>> -> memref<128x64xf32, #tpu.memory_space<vmem>>
    tpu.enqueue_dma source(%dma_start3A_356 : memref<128x64xf32, #tpu.memory_space<vmem>>) target(%dma_start3A_352 : memref<128x64xf32, #tpu.memory_space<hbm>>) target_semaphore(%arg24 : memref<!tpu.dma_semaphore, #tpu.memory_space<semaphore_mem>>)
    %dma_wait3A_357 = arith.constant 0 : i32
    %dma_wait3A_358 = arith.constant 8 : i32
    %dma_wait3A_359 = arith.constant 0 : i32
    %dma_wait3A_360 = arith.constant 0 : i32
    %dma_wait3A_361 = tpu.memref_slice %arg6[%dma_wait3A_358, %dma_wait3A_359, %dma_wait3A_360] : memref<10x128x64xf32, #tpu.memory_space<vmem>> -> memref<1x128x64xf32, #tpu.memory_space<vmem>>
    %dma_wait3A_362 = tpu.memref_squeeze %dma_wait3A_361 : memref<1x128x64xf32, #tpu.memory_space<vmem>> -> memref<128x64xf32, #tpu.memory_space<vmem>>
    %dma_wait3A_363 = arith.constant 0 : i32
    %dma_wait3A_364 = tpu.memref_slice %arg5[%dma_wait3A_357, %dma_wait3A_363] : memref<200x128xi32, #tpu.memory_space<vmem>> -> memref<1x128xi32, #tpu.memory_space<vmem>>
    %dma_wait3A_365 = tpu.memref_squeeze %dma_wait3A_364 : memref<1x128xi32, #tpu.memory_space<vmem>> -> memref<128xi32, #tpu.memory_space<vmem>>
    %dma_wait3A_366 = arith.constant 0 : i32
    %dma_wait3A_367 = arith.constant 0 : i32
    %dma_wait3A_368 = tpu.memref_slice %arg2[%dma_wait3A_366, %dma_wait3A_367] : memref<100000x64xf32, #tpu.memory_space<hbm>> -> memref<100000x64xf32, #tpu.memory_space<hbm>>
    tpu.wait_indirect_dma semaphore(%arg15 : memref<!tpu.dma_semaphore, #tpu.memory_space<semaphore_mem>>) src(%dma_wait3A_368 : memref<100000x64xf32, #tpu.memory_space<hbm>>) dst(%dma_wait3A_362 : memref<128x64xf32, #tpu.memory_space<vmem>>)
    %add3A_369 = arith.constant 198 : i32
    %add3A_370 = arith.addi %mul3A_2, %add3A_369 : i32
    %mul3A_371 = arith.constant 128 : i32
    %mul3A_372 = arith.muli %add3A_370, %mul3A_371 : i32
    %dma_start3A_373 = arith.constant 8 : i32
    %dma_start3A_374 = arith.constant 0 : i32
    %dma_start3A_375 = arith.constant 0 : i32
    %dma_start3A_376 = tpu.memref_slice %arg6[%dma_start3A_373, %dma_start3A_374, %dma_start3A_375] : memref<10x128x64xf32, #tpu.memory_space<vmem>> -> memref<1x128x64xf32, #tpu.memory_space<vmem>>
    %dma_start3A_377 = tpu.memref_squeeze %dma_start3A_376 : memref<1x128x64xf32, #tpu.memory_space<vmem>> -> memref<128x64xf32, #tpu.memory_space<vmem>>
    %dma_start3A_378 = arith.constant 0 : i32
    %dma_start3A_379 = tpu.memref_slice %arg4[%mul3A_372, %dma_start3A_378] : memref<819200x64xf32, #tpu.memory_space<hbm>> -> memref<128x64xf32, #tpu.memory_space<hbm>>
    %dma_start3A_380 = arith.constant 0 : i32
    %dma_start3A_381 = tpu.memref_slice %arg4[%mul3A_372, %dma_start3A_380] : memref<819200x64xf32, #tpu.memory_space<hbm>> -> memref<128x64xf32, #tpu.memory_space<hbm>>
    %dma_start3A_382 = arith.constant 0 : i32
    %dma_start3A_383 = arith.constant 0 : i32
    %dma_start3A_384 = tpu.memref_slice %arg6[%dma_start3A_373, %dma_start3A_382, %dma_start3A_383] : memref<10x128x64xf32, #tpu.memory_space<vmem>> -> memref<1x128x64xf32, #tpu.memory_space<vmem>>
    %dma_start3A_385 = tpu.memref_squeeze %dma_start3A_384 : memref<1x128x64xf32, #tpu.memory_space<vmem>> -> memref<128x64xf32, #tpu.memory_space<vmem>>
    tpu.enqueue_dma source(%dma_start3A_385 : memref<128x64xf32, #tpu.memory_space<vmem>>) target(%dma_start3A_381 : memref<128x64xf32, #tpu.memory_space<hbm>>) target_semaphore(%arg25 : memref<!tpu.dma_semaphore, #tpu.memory_space<semaphore_mem>>)
    %dma_wait3A_386 = arith.constant 0 : i32
    %dma_wait3A_387 = arith.constant 9 : i32
    %dma_wait3A_388 = arith.constant 0 : i32
    %dma_wait3A_389 = arith.constant 0 : i32
    %dma_wait3A_390 = tpu.memref_slice %arg6[%dma_wait3A_387, %dma_wait3A_388, %dma_wait3A_389] : memref<10x128x64xf32, #tpu.memory_space<vmem>> -> memref<1x128x64xf32, #tpu.memory_space<vmem>>
    %dma_wait3A_391 = tpu.memref_squeeze %dma_wait3A_390 : memref<1x128x64xf32, #tpu.memory_space<vmem>> -> memref<128x64xf32, #tpu.memory_space<vmem>>
    %dma_wait3A_392 = arith.constant 0 : i32
    %dma_wait3A_393 = tpu.memref_slice %arg5[%dma_wait3A_386, %dma_wait3A_392] : memref<200x128xi32, #tpu.memory_space<vmem>> -> memref<1x128xi32, #tpu.memory_space<vmem>>
    %dma_wait3A_394 = tpu.memref_squeeze %dma_wait3A_393 : memref<1x128xi32, #tpu.memory_space<vmem>> -> memref<128xi32, #tpu.memory_space<vmem>>
    %dma_wait3A_395 = arith.constant 0 : i32
    %dma_wait3A_396 = arith.constant 0 : i32
    %dma_wait3A_397 = tpu.memref_slice %arg2[%dma_wait3A_395, %dma_wait3A_396] : memref<100000x64xf32, #tpu.memory_space<hbm>> -> memref<100000x64xf32, #tpu.memory_space<hbm>>
    tpu.wait_indirect_dma semaphore(%arg16 : memref<!tpu.dma_semaphore, #tpu.memory_space<semaphore_mem>>) src(%dma_wait3A_397 : memref<100000x64xf32, #tpu.memory_space<hbm>>) dst(%dma_wait3A_391 : memref<128x64xf32, #tpu.memory_space<vmem>>)
    %add3A_398 = arith.constant 199 : i32
    %add3A_399 = arith.addi %mul3A_2, %add3A_398 : i32
    %mul3A_400 = arith.constant 128 : i32
    %mul3A_401 = arith.muli %add3A_399, %mul3A_400 : i32
    %dma_start3A_402 = arith.constant 9 : i32
    %dma_start3A_403 = arith.constant 0 : i32
    %dma_start3A_404 = arith.constant 0 : i32
    %dma_start3A_405 = tpu.memref_slice %arg6[%dma_start3A_402, %dma_start3A_403, %dma_start3A_404] : memref<10x128x64xf32, #tpu.memory_space<vmem>> -> memref<1x128x64xf32, #tpu.memory_space<vmem>>
    %dma_start3A_406 = tpu.memref_squeeze %dma_start3A_405 : memref<1x128x64xf32, #tpu.memory_space<vmem>> -> memref<128x64xf32, #tpu.memory_space<vmem>>
    %dma_start3A_407 = arith.constant 0 : i32
    %dma_start3A_408 = tpu.memref_slice %arg4[%mul3A_401, %dma_start3A_407] : memref<819200x64xf32, #tpu.memory_space<hbm>> -> memref<128x64xf32, #tpu.memory_space<hbm>>
    %dma_start3A_409 = arith.constant 0 : i32
    %dma_start3A_410 = tpu.memref_slice %arg4[%mul3A_401, %dma_start3A_409] : memref<819200x64xf32, #tpu.memory_space<hbm>> -> memref<128x64xf32, #tpu.memory_space<hbm>>
    %dma_start3A_411 = arith.constant 0 : i32
    %dma_start3A_412 = arith.constant 0 : i32
    %dma_start3A_413 = tpu.memref_slice %arg6[%dma_start3A_402, %dma_start3A_411, %dma_start3A_412] : memref<10x128x64xf32, #tpu.memory_space<vmem>> -> memref<1x128x64xf32, #tpu.memory_space<vmem>>
    %dma_start3A_414 = tpu.memref_squeeze %dma_start3A_413 : memref<1x128x64xf32, #tpu.memory_space<vmem>> -> memref<128x64xf32, #tpu.memory_space<vmem>>
    tpu.enqueue_dma source(%dma_start3A_414 : memref<128x64xf32, #tpu.memory_space<vmem>>) target(%dma_start3A_410 : memref<128x64xf32, #tpu.memory_space<hbm>>) target_semaphore(%arg26 : memref<!tpu.dma_semaphore, #tpu.memory_space<semaphore_mem>>)
    %mul3A_415 = arith.constant 128 : i32
    %mul3A_416 = arith.muli %mul3A_2, %mul3A_415 : i32
    %dma_wait3A_417 = arith.constant 0 : i32
    %dma_wait3A_418 = arith.constant 0 : i32
    %dma_wait3A_419 = arith.constant 0 : i32
    %dma_wait3A_420 = tpu.memref_slice %arg6[%dma_wait3A_417, %dma_wait3A_418, %dma_wait3A_419] : memref<10x128x64xf32, #tpu.memory_space<vmem>> -> memref<1x128x64xf32, #tpu.memory_space<vmem>>
    %dma_wait3A_421 = tpu.memref_squeeze %dma_wait3A_420 : memref<1x128x64xf32, #tpu.memory_space<vmem>> -> memref<128x64xf32, #tpu.memory_space<vmem>>
    %dma_wait3A_422 = arith.constant 0 : i32
    %dma_wait3A_423 = tpu.memref_slice %arg4[%mul3A_416, %dma_wait3A_422] : memref<819200x64xf32, #tpu.memory_space<hbm>> -> memref<128x64xf32, #tpu.memory_space<hbm>>
    %dma_wait3A_424 = arith.constant 0 : i32
    %dma_wait3A_425 = tpu.memref_slice %arg4[%mul3A_416, %dma_wait3A_424] : memref<819200x64xf32, #tpu.memory_space<hbm>> -> memref<128x64xf32, #tpu.memory_space<hbm>>
    %dma_wait3A_426 = arith.constant 0 : i32
    %dma_wait3A_427 = arith.constant 0 : i32
    %dma_wait3A_428 = tpu.memref_slice %arg6[%dma_wait3A_417, %dma_wait3A_426, %dma_wait3A_427] : memref<10x128x64xf32, #tpu.memory_space<vmem>> -> memref<1x128x64xf32, #tpu.memory_space<vmem>>
    %dma_wait3A_429 = tpu.memref_squeeze %dma_wait3A_428 : memref<1x128x64xf32, #tpu.memory_space<vmem>> -> memref<128x64xf32, #tpu.memory_space<vmem>>
    tpu.wait_dma2 semaphore(%arg17 : memref<!tpu.dma_semaphore, #tpu.memory_space<semaphore_mem>>) src(%dma_wait3A_429 : memref<128x64xf32, #tpu.memory_space<vmem>>) dst(%dma_wait3A_425 : memref<128x64xf32, #tpu.memory_space<hbm>>)
    %mul3A_430 = arith.constant 128 : i32
    %mul3A_431 = arith.muli %mul3A_2, %mul3A_430 : i32
    %dma_wait3A_432 = arith.constant 1 : i32
    %dma_wait3A_433 = arith.constant 0 : i32
    %dma_wait3A_434 = arith.constant 0 : i32
    %dma_wait3A_435 = tpu.memref_slice %arg6[%dma_wait3A_432, %dma_wait3A_433, %dma_wait3A_434] : memref<10x128x64xf32, #tpu.memory_space<vmem>> -> memref<1x128x64xf32, #tpu.memory_space<vmem>>
    %dma_wait3A_436 = tpu.memref_squeeze %dma_wait3A_435 : memref<1x128x64xf32, #tpu.memory_space<vmem>> -> memref<128x64xf32, #tpu.memory_space<vmem>>
    %dma_wait3A_437 = arith.constant 0 : i32
    %dma_wait3A_438 = tpu.memref_slice %arg4[%mul3A_431, %dma_wait3A_437] : memref<819200x64xf32, #tpu.memory_space<hbm>> -> memref<128x64xf32, #tpu.memory_space<hbm>>
    %dma_wait3A_439 = arith.constant 0 : i32
    %dma_wait3A_440 = tpu.memref_slice %arg4[%mul3A_431, %dma_wait3A_439] : memref<819200x64xf32, #tpu.memory_space<hbm>> -> memref<128x64xf32, #tpu.memory_space<hbm>>
    %dma_wait3A_441 = arith.constant 0 : i32
    %dma_wait3A_442 = arith.constant 0 : i32
    %dma_wait3A_443 = tpu.memref_slice %arg6[%dma_wait3A_432, %dma_wait3A_441, %dma_wait3A_442] : memref<10x128x64xf32, #tpu.memory_space<vmem>> -> memref<1x128x64xf32, #tpu.memory_space<vmem>>
    %dma_wait3A_444 = tpu.memref_squeeze %dma_wait3A_443 : memref<1x128x64xf32, #tpu.memory_space<vmem>> -> memref<128x64xf32, #tpu.memory_space<vmem>>
    tpu.wait_dma2 semaphore(%arg18 : memref<!tpu.dma_semaphore, #tpu.memory_space<semaphore_mem>>) src(%dma_wait3A_444 : memref<128x64xf32, #tpu.memory_space<vmem>>) dst(%dma_wait3A_440 : memref<128x64xf32, #tpu.memory_space<hbm>>)
    %mul3A_445 = arith.constant 128 : i32
    %mul3A_446 = arith.muli %mul3A_2, %mul3A_445 : i32
    %dma_wait3A_447 = arith.constant 2 : i32
    %dma_wait3A_448 = arith.constant 0 : i32
    %dma_wait3A_449 = arith.constant 0 : i32
    %dma_wait3A_450 = tpu.memref_slice %arg6[%dma_wait3A_447, %dma_wait3A_448, %dma_wait3A_449] : memref<10x128x64xf32, #tpu.memory_space<vmem>> -> memref<1x128x64xf32, #tpu.memory_space<vmem>>
    %dma_wait3A_451 = tpu.memref_squeeze %dma_wait3A_450 : memref<1x128x64xf32, #tpu.memory_space<vmem>> -> memref<128x64xf32, #tpu.memory_space<vmem>>
    %dma_wait3A_452 = arith.constant 0 : i32
    %dma_wait3A_453 = tpu.memref_slice %arg4[%mul3A_446, %dma_wait3A_452] : memref<819200x64xf32, #tpu.memory_space<hbm>> -> memref<128x64xf32, #tpu.memory_space<hbm>>
    %dma_wait3A_454 = arith.constant 0 : i32
    %dma_wait3A_455 = tpu.memref_slice %arg4[%mul3A_446, %dma_wait3A_454] : memref<819200x64xf32, #tpu.memory_space<hbm>> -> memref<128x64xf32, #tpu.memory_space<hbm>>
    %dma_wait3A_456 = arith.constant 0 : i32
    %dma_wait3A_457 = arith.constant 0 : i32
    %dma_wait3A_458 = tpu.memref_slice %arg6[%dma_wait3A_447, %dma_wait3A_456, %dma_wait3A_457] : memref<10x128x64xf32, #tpu.memory_space<vmem>> -> memref<1x128x64xf32, #tpu.memory_space<vmem>>
    %dma_wait3A_459 = tpu.memref_squeeze %dma_wait3A_458 : memref<1x128x64xf32, #tpu.memory_space<vmem>> -> memref<128x64xf32, #tpu.memory_space<vmem>>
    tpu.wait_dma2 semaphore(%arg19 : memref<!tpu.dma_semaphore, #tpu.memory_space<semaphore_mem>>) src(%dma_wait3A_459 : memref<128x64xf32, #tpu.memory_space<vmem>>) dst(%dma_wait3A_455 : memref<128x64xf32, #tpu.memory_space<hbm>>)
    %mul3A_460 = arith.constant 128 : i32
    %mul3A_461 = arith.muli %mul3A_2, %mul3A_460 : i32
    %dma_wait3A_462 = arith.constant 3 : i32
    %dma_wait3A_463 = arith.constant 0 : i32
    %dma_wait3A_464 = arith.constant 0 : i32
    %dma_wait3A_465 = tpu.memref_slice %arg6[%dma_wait3A_462, %dma_wait3A_463, %dma_wait3A_464] : memref<10x128x64xf32, #tpu.memory_space<vmem>> -> memref<1x128x64xf32, #tpu.memory_space<vmem>>
    %dma_wait3A_466 = tpu.memref_squeeze %dma_wait3A_465 : memref<1x128x64xf32, #tpu.memory_space<vmem>> -> memref<128x64xf32, #tpu.memory_space<vmem>>
    %dma_wait3A_467 = arith.constant 0 : i32
    %dma_wait3A_468 = tpu.memref_slice %arg4[%mul3A_461, %dma_wait3A_467] : memref<819200x64xf32, #tpu.memory_space<hbm>> -> memref<128x64xf32, #tpu.memory_space<hbm>>
    %dma_wait3A_469 = arith.constant 0 : i32
    %dma_wait3A_470 = tpu.memref_slice %arg4[%mul3A_461, %dma_wait3A_469] : memref<819200x64xf32, #tpu.memory_space<hbm>> -> memref<128x64xf32, #tpu.memory_space<hbm>>
    %dma_wait3A_471 = arith.constant 0 : i32
    %dma_wait3A_472 = arith.constant 0 : i32
    %dma_wait3A_473 = tpu.memref_slice %arg6[%dma_wait3A_462, %dma_wait3A_471, %dma_wait3A_472] : memref<10x128x64xf32, #tpu.memory_space<vmem>> -> memref<1x128x64xf32, #tpu.memory_space<vmem>>
    %dma_wait3A_474 = tpu.memref_squeeze %dma_wait3A_473 : memref<1x128x64xf32, #tpu.memory_space<vmem>> -> memref<128x64xf32, #tpu.memory_space<vmem>>
    tpu.wait_dma2 semaphore(%arg20 : memref<!tpu.dma_semaphore, #tpu.memory_space<semaphore_mem>>) src(%dma_wait3A_474 : memref<128x64xf32, #tpu.memory_space<vmem>>) dst(%dma_wait3A_470 : memref<128x64xf32, #tpu.memory_space<hbm>>)
    %mul3A_475 = arith.constant 128 : i32
    %mul3A_476 = arith.muli %mul3A_2, %mul3A_475 : i32
    %dma_wait3A_477 = arith.constant 4 : i32
    %dma_wait3A_478 = arith.constant 0 : i32
    %dma_wait3A_479 = arith.constant 0 : i32
    %dma_wait3A_480 = tpu.memref_slice %arg6[%dma_wait3A_477, %dma_wait3A_478, %dma_wait3A_479] : memref<10x128x64xf32, #tpu.memory_space<vmem>> -> memref<1x128x64xf32, #tpu.memory_space<vmem>>
    %dma_wait3A_481 = tpu.memref_squeeze %dma_wait3A_480 : memref<1x128x64xf32, #tpu.memory_space<vmem>> -> memref<128x64xf32, #tpu.memory_space<vmem>>
    %dma_wait3A_482 = arith.constant 0 : i32
    %dma_wait3A_483 = tpu.memref_slice %arg4[%mul3A_476, %dma_wait3A_482] : memref<819200x64xf32, #tpu.memory_space<hbm>> -> memref<128x64xf32, #tpu.memory_space<hbm>>
    %dma_wait3A_484 = arith.constant 0 : i32
    %dma_wait3A_485 = tpu.memref_slice %arg4[%mul3A_476, %dma_wait3A_484] : memref<819200x64xf32, #tpu.memory_space<hbm>> -> memref<128x64xf32, #tpu.memory_space<hbm>>
    %dma_wait3A_486 = arith.constant 0 : i32
    %dma_wait3A_487 = arith.constant 0 : i32
    %dma_wait3A_488 = tpu.memref_slice %arg6[%dma_wait3A_477, %dma_wait3A_486, %dma_wait3A_487] : memref<10x128x64xf32, #tpu.memory_space<vmem>> -> memref<1x128x64xf32, #tpu.memory_space<vmem>>
    %dma_wait3A_489 = tpu.memref_squeeze %dma_wait3A_488 : memref<1x128x64xf32, #tpu.memory_space<vmem>> -> memref<128x64xf32, #tpu.memory_space<vmem>>
    tpu.wait_dma2 semaphore(%arg21 : memref<!tpu.dma_semaphore, #tpu.memory_space<semaphore_mem>>) src(%dma_wait3A_489 : memref<128x64xf32, #tpu.memory_space<vmem>>) dst(%dma_wait3A_485 : memref<128x64xf32, #tpu.memory_space<hbm>>)
    %mul3A_490 = arith.constant 128 : i32
    %mul3A_491 = arith.muli %mul3A_2, %mul3A_490 : i32
    %dma_wait3A_492 = arith.constant 5 : i32
    %dma_wait3A_493 = arith.constant 0 : i32
    %dma_wait3A_494 = arith.constant 0 : i32
    %dma_wait3A_495 = tpu.memref_slice %arg6[%dma_wait3A_492, %dma_wait3A_493, %dma_wait3A_494] : memref<10x128x64xf32, #tpu.memory_space<vmem>> -> memref<1x128x64xf32, #tpu.memory_space<vmem>>
    %dma_wait3A_496 = tpu.memref_squeeze %dma_wait3A_495 : memref<1x128x64xf32, #tpu.memory_space<vmem>> -> memref<128x64xf32, #tpu.memory_space<vmem>>
    %dma_wait3A_497 = arith.constant 0 : i32
    %dma_wait3A_498 = tpu.memref_slice %arg4[%mul3A_491, %dma_wait3A_497] : memref<819200x64xf32, #tpu.memory_space<hbm>> -> memref<128x64xf32, #tpu.memory_space<hbm>>
    %dma_wait3A_499 = arith.constant 0 : i32
    %dma_wait3A_500 = tpu.memref_slice %arg4[%mul3A_491, %dma_wait3A_499] : memref<819200x64xf32, #tpu.memory_space<hbm>> -> memref<128x64xf32, #tpu.memory_space<hbm>>
    %dma_wait3A_501 = arith.constant 0 : i32
    %dma_wait3A_502 = arith.constant 0 : i32
    %dma_wait3A_503 = tpu.memref_slice %arg6[%dma_wait3A_492, %dma_wait3A_501, %dma_wait3A_502] : memref<10x128x64xf32, #tpu.memory_space<vmem>> -> memref<1x128x64xf32, #tpu.memory_space<vmem>>
    %dma_wait3A_504 = tpu.memref_squeeze %dma_wait3A_503 : memref<1x128x64xf32, #tpu.memory_space<vmem>> -> memref<128x64xf32, #tpu.memory_space<vmem>>
    tpu.wait_dma2 semaphore(%arg22 : memref<!tpu.dma_semaphore, #tpu.memory_space<semaphore_mem>>) src(%dma_wait3A_504 : memref<128x64xf32, #tpu.memory_space<vmem>>) dst(%dma_wait3A_500 : memref<128x64xf32, #tpu.memory_space<hbm>>)
    %mul3A_505 = arith.constant 128 : i32
    %mul3A_506 = arith.muli %mul3A_2, %mul3A_505 : i32
    %dma_wait3A_507 = arith.constant 6 : i32
    %dma_wait3A_508 = arith.constant 0 : i32
    %dma_wait3A_509 = arith.constant 0 : i32
    %dma_wait3A_510 = tpu.memref_slice %arg6[%dma_wait3A_507, %dma_wait3A_508, %dma_wait3A_509] : memref<10x128x64xf32, #tpu.memory_space<vmem>> -> memref<1x128x64xf32, #tpu.memory_space<vmem>>
    %dma_wait3A_511 = tpu.memref_squeeze %dma_wait3A_510 : memref<1x128x64xf32, #tpu.memory_space<vmem>> -> memref<128x64xf32, #tpu.memory_space<vmem>>
    %dma_wait3A_512 = arith.constant 0 : i32
    %dma_wait3A_513 = tpu.memref_slice %arg4[%mul3A_506, %dma_wait3A_512] : memref<819200x64xf32, #tpu.memory_space<hbm>> -> memref<128x64xf32, #tpu.memory_space<hbm>>
    %dma_wait3A_514 = arith.constant 0 : i32
    %dma_wait3A_515 = tpu.memref_slice %arg4[%mul3A_506, %dma_wait3A_514] : memref<819200x64xf32, #tpu.memory_space<hbm>> -> memref<128x64xf32, #tpu.memory_space<hbm>>
    %dma_wait3A_516 = arith.constant 0 : i32
    %dma_wait3A_517 = arith.constant 0 : i32
    %dma_wait3A_518 = tpu.memref_slice %arg6[%dma_wait3A_507, %dma_wait3A_516, %dma_wait3A_517] : memref<10x128x64xf32, #tpu.memory_space<vmem>> -> memref<1x128x64xf32, #tpu.memory_space<vmem>>
    %dma_wait3A_519 = tpu.memref_squeeze %dma_wait3A_518 : memref<1x128x64xf32, #tpu.memory_space<vmem>> -> memref<128x64xf32, #tpu.memory_space<vmem>>
    tpu.wait_dma2 semaphore(%arg23 : memref<!tpu.dma_semaphore, #tpu.memory_space<semaphore_mem>>) src(%dma_wait3A_519 : memref<128x64xf32, #tpu.memory_space<vmem>>) dst(%dma_wait3A_515 : memref<128x64xf32, #tpu.memory_space<hbm>>)
    %mul3A_520 = arith.constant 128 : i32
    %mul3A_521 = arith.muli %mul3A_2, %mul3A_520 : i32
    %dma_wait3A_522 = arith.constant 7 : i32
    %dma_wait3A_523 = arith.constant 0 : i32
    %dma_wait3A_524 = arith.constant 0 : i32
    %dma_wait3A_525 = tpu.memref_slice %arg6[%dma_wait3A_522, %dma_wait3A_523, %dma_wait3A_524] : memref<10x128x64xf32, #tpu.memory_space<vmem>> -> memref<1x128x64xf32, #tpu.memory_space<vmem>>
    %dma_wait3A_526 = tpu.memref_squeeze %dma_wait3A_525 : memref<1x128x64xf32, #tpu.memory_space<vmem>> -> memref<128x64xf32, #tpu.memory_space<vmem>>
    %dma_wait3A_527 = arith.constant 0 : i32
    %dma_wait3A_528 = tpu.memref_slice %arg4[%mul3A_521, %dma_wait3A_527] : memref<819200x64xf32, #tpu.memory_space<hbm>> -> memref<128x64xf32, #tpu.memory_space<hbm>>
    %dma_wait3A_529 = arith.constant 0 : i32
    %dma_wait3A_530 = tpu.memref_slice %arg4[%mul3A_521, %dma_wait3A_529] : memref<819200x64xf32, #tpu.memory_space<hbm>> -> memref<128x64xf32, #tpu.memory_space<hbm>>
    %dma_wait3A_531 = arith.constant 0 : i32
    %dma_wait3A_532 = arith.constant 0 : i32
    %dma_wait3A_533 = tpu.memref_slice %arg6[%dma_wait3A_522, %dma_wait3A_531, %dma_wait3A_532] : memref<10x128x64xf32, #tpu.memory_space<vmem>> -> memref<1x128x64xf32, #tpu.memory_space<vmem>>
    %dma_wait3A_534 = tpu.memref_squeeze %dma_wait3A_533 : memref<1x128x64xf32, #tpu.memory_space<vmem>> -> memref<128x64xf32, #tpu.memory_space<vmem>>
    tpu.wait_dma2 semaphore(%arg24 : memref<!tpu.dma_semaphore, #tpu.memory_space<semaphore_mem>>) src(%dma_wait3A_534 : memref<128x64xf32, #tpu.memory_space<vmem>>) dst(%dma_wait3A_530 : memref<128x64xf32, #tpu.memory_space<hbm>>)
    %mul3A_535 = arith.constant 128 : i32
    %mul3A_536 = arith.muli %mul3A_2, %mul3A_535 : i32
    %dma_wait3A_537 = arith.constant 8 : i32
    %dma_wait3A_538 = arith.constant 0 : i32
    %dma_wait3A_539 = arith.constant 0 : i32
    %dma_wait3A_540 = tpu.memref_slice %arg6[%dma_wait3A_537, %dma_wait3A_538, %dma_wait3A_539] : memref<10x128x64xf32, #tpu.memory_space<vmem>> -> memref<1x128x64xf32, #tpu.memory_space<vmem>>
    %dma_wait3A_541 = tpu.memref_squeeze %dma_wait3A_540 : memref<1x128x64xf32, #tpu.memory_space<vmem>> -> memref<128x64xf32, #tpu.memory_space<vmem>>
    %dma_wait3A_542 = arith.constant 0 : i32
    %dma_wait3A_543 = tpu.memref_slice %arg4[%mul3A_536, %dma_wait3A_542] : memref<819200x64xf32, #tpu.memory_space<hbm>> -> memref<128x64xf32, #tpu.memory_space<hbm>>
    %dma_wait3A_544 = arith.constant 0 : i32
    %dma_wait3A_545 = tpu.memref_slice %arg4[%mul3A_536, %dma_wait3A_544] : memref<819200x64xf32, #tpu.memory_space<hbm>> -> memref<128x64xf32, #tpu.memory_space<hbm>>
    %dma_wait3A_546 = arith.constant 0 : i32
    %dma_wait3A_547 = arith.constant 0 : i32
    %dma_wait3A_548 = tpu.memref_slice %arg6[%dma_wait3A_537, %dma_wait3A_546, %dma_wait3A_547] : memref<10x128x64xf32, #tpu.memory_space<vmem>> -> memref<1x128x64xf32, #tpu.memory_space<vmem>>
    %dma_wait3A_549 = tpu.memref_squeeze %dma_wait3A_548 : memref<1x128x64xf32, #tpu.memory_space<vmem>> -> memref<128x64xf32, #tpu.memory_space<vmem>>
    tpu.wait_dma2 semaphore(%arg25 : memref<!tpu.dma_semaphore, #tpu.memory_space<semaphore_mem>>) src(%dma_wait3A_549 : memref<128x64xf32, #tpu.memory_space<vmem>>) dst(%dma_wait3A_545 : memref<128x64xf32, #tpu.memory_space<hbm>>)
    %mul3A_550 = arith.constant 128 : i32
    %mul3A_551 = arith.muli %mul3A_2, %mul3A_550 : i32
    %dma_wait3A_552 = arith.constant 9 : i32
    %dma_wait3A_553 = arith.constant 0 : i32
    %dma_wait3A_554 = arith.constant 0 : i32
    %dma_wait3A_555 = tpu.memref_slice %arg6[%dma_wait3A_552, %dma_wait3A_553, %dma_wait3A_554] : memref<10x128x64xf32, #tpu.memory_space<vmem>> -> memref<1x128x64xf32, #tpu.memory_space<vmem>>
    %dma_wait3A_556 = tpu.memref_squeeze %dma_wait3A_555 : memref<1x128x64xf32, #tpu.memory_space<vmem>> -> memref<128x64xf32, #tpu.memory_space<vmem>>
    %dma_wait3A_557 = arith.constant 0 : i32
    %dma_wait3A_558 = tpu.memref_slice %arg4[%mul3A_551, %dma_wait3A_557] : memref<819200x64xf32, #tpu.memory_space<hbm>> -> memref<128x64xf32, #tpu.memory_space<hbm>>
    %dma_wait3A_559 = arith.constant 0 : i32
    %dma_wait3A_560 = tpu.memref_slice %arg4[%mul3A_551, %dma_wait3A_559] : memref<819200x64xf32, #tpu.memory_space<hbm>> -> memref<128x64xf32, #tpu.memory_space<hbm>>
    %dma_wait3A_561 = arith.constant 0 : i32
    %dma_wait3A_562 = arith.constant 0 : i32
    %dma_wait3A_563 = tpu.memref_slice %arg6[%dma_wait3A_552, %dma_wait3A_561, %dma_wait3A_562] : memref<10x128x64xf32, #tpu.memory_space<vmem>> -> memref<1x128x64xf32, #tpu.memory_space<vmem>>
    %dma_wait3A_564 = tpu.memref_squeeze %dma_wait3A_563 : memref<1x128x64xf32, #tpu.memory_space<vmem>> -> memref<128x64xf32, #tpu.memory_space<vmem>>
    tpu.wait_dma2 semaphore(%arg26 : memref<!tpu.dma_semaphore, #tpu.memory_space<semaphore_mem>>) src(%dma_wait3A_564 : memref<128x64xf32, #tpu.memory_space<vmem>>) dst(%dma_wait3A_560 : memref<128x64xf32, #tpu.memory_space<hbm>>)
    return
  }
}

</mosaic_0001>

<sc_bundles>
// kernel: kernel.3.cloned.1.call-start
scs
__scs_entry_jumppad:
0x0: {  	(pc) =	sbr.rel $0x88, $3  }
0x1: {  	(tag) =	ssettag $0x0;
	lr =	simm.s32 $0x1  }
0x2: {  	[smem:$0x3F9F] =	sst lr;
	_ =	strace $0xD0000000  }
0x3: {  	_ = 	snop  }
0x4: {  	_ = 	snop  }
0x5: {  	_ = 	snop  }
0x6: {  	_ = 	snop  }
0x7: {  	_ = 	snop  }
__scs_overlays_trampoline_lowered:
0x8: {  	[smem:$0x3FAE] =	sst s0  }
0x9: {  	[smem:$0x3FAF] =	sst s1  }
0xa: {  	[smem:$0x3FB0] =	sst s2  }
0xb: {  	[smem:$0x3FB1] =	sst s3  }
0xc: {  	[smem:$0x3FB2] =	sst s4  }
0xd: {  	[smem:$0x3FB3] =	sst s5  }
0xe: {  	[smem:$0x3FB4] =	sst s6  }
0xf: {  	[smem:$0x3FB5] =	sst s7  }
0x10: {  	[smem:$0x3FB6] =	sst s8  }
0x11: {  	[smem:$0x3FB7] =	sst s9;
	s0 =	simm.s32 @!p0 $0x0  }
0x12: {  	s1 =	sld [smem:$0x3F9D];
	s0 =	simm.s32 @p0 $0x1  }
0x13: {  	[smem:$0x3FB8] =	sst s0;
	s0 =	simm.s32 @!p1 $0x0  }
0x14: {  	s2 =	sld [smem:$0x3F9C];
	s0 =	simm.s32 @p1 $0x1  }
0x15: {  	[smem:$0x3FB9] =	sst s0;
	s0 =	simm.s32 @!p2 $0x0  }
0x16: {  	s3 =	sld [smem:$0x3FDB];
	s0 =	simm.s32 @p2 $0x1  }
0x17: {  	s4 =	simm.s32 $0x1BF5;
	[smem:$0x3FBB] =	sst s0  }
0x18: {  	s0 =	sld [smem:$0x3F9E];
	_ =	swait.ge [sflag:s4], $0x0  }
0x19: {  	s7 =	sld [smem:$0x3F9F]  }
0x1a: {  	s8 =	sadd.s32 $0xFFFFE003, lr  }
0x1b: {  	s9 =	sadd.s32 $0xFFFFFEF7, lr;
	s5 =	simm.s32 $0xFFFFFFFF;
	p2 =	slt.u32 s8, $0xFFFFF086  }
0x1c: {  	p1 =	slt.u32 s9, $0xF7A;
	s5 =	simm.s32 @!p2 $0x0  }
0x1d: {  	s5 =	simm.s32 @p1 $0x1;
	p0 =	seq.s32 s7, s2  }
0x1e: {  	s7 =	smul.u32 @!p0 $0xF7A, s2;
	p2 =	seq.s32 @!p0 s5, $0x0  }
0x1f: {  	s9 =	smul.u32 $0xF7A, s1;
	s8 =	simm.s32 @!p0 $0x1BF5;
	p2 =	por !p2, p0  }
0x20: {  	[sflag:s8] =	ssyncset.s32 @!p0 $0xFFFFF086;
	s6 =	sadd.s32 @!p0 s3, s7;
	s7 =	simm.s32 @!p0 $0x108  }
0x21: {  	s3 =	sadd.s32 s3, s9;
	s6 =	sadd.s32 @!p0 $0x88, s6;
	s7 =	simm.s32 @p2 $0x1082  }
0x22: {  	[simem:s7], [sflag:s8] =	dma.local @!p0 [hbm:s6], $0xF7A  }
0x23: {  	s9 =	sor.u32 $0xD0000000, s2;
	s6 =	simm.s32 $0x108;
	_ =	swait.ge @!p0 [sflag:s8], $0x0  }
0x24: {  	s3 =	sadd.s32 $0x88, s3;
	s6 =	simm.s32 @!p1 $0x1082;
	[sflag:s4] =	ssyncset.s32 $0xFFFFF086  }
0x25: {  	[simem:s6], [sflag:s4] =	dma.local [hbm:s3], $0xF7A  }
0x26: {  	[smem:$0x3F9F] =	sst s1;
	(tag) =	ssettag s2;
	_ =	strace s9  }
0x27: {  	s1 =	sld [smem:$0x3FAF]  }
0x28: {  	s2 =	sld [smem:$0x3FB0]  }
0x29: {  	s4 =	sld [smem:$0x3FB2]  }
0x2a: {  	p0 =	seq.s32 s5, $0x0;
	s5 =	sld [smem:$0x3FB3]  }
0x2b: {  	s6 =	sld [smem:$0x3FB4]  }
0x2c: {  	s7 =	sld [smem:$0x3FB5]  }
0x2d: {  	s3 =	simm.s32 $0x108;
	s8 =	sld [smem:$0x3FB6]  }
0x2e: {  	s3 =	simm.s32 @!p0 $0x1082;
	s9 =	sld [smem:$0x3FB7]  }
0x2f: {  	lr =	sadd.s32 s0, s3;
	s0 =	sld [smem:$0x3FAE]  }
0x30: {  	s3 =	sld [smem:$0x3FB1]  }
0x31: {  	[smem:$0x3FBA] =	sst s10  }
0x32: {  	s10 =	sld [smem:$0x3FB8];
	_ =	sdelay $0x3  }
0x33: {  	p0 =	seq.s32 s10, $0x1;
	s10 =	sld [smem:$0x3FBA];
	_ =	sdelay $0x3  }
0x34: {  	[smem:$0x3FBA] =	sst s10  }
0x35: {  	s10 =	sld [smem:$0x3FB9];
	_ =	sdelay $0x3  }
0x36: {  	p1 =	seq.s32 s10, $0x1;
	s10 =	sld [smem:$0x3FBA];
	_ =	sdelay $0x3  }
0x37: {  	[smem:$0x3FBA] =	sst s10  }
0x38: {  	s10 =	sld [smem:$0x3FBB]  }
0x39: {  	_ = 	snop;
	(pc) =	sbr.ind lr, $3  }
0x3a: {  	_ = 	snop  }
0x3b: {  	_ = 	snop  }
0x3c: {  	p2 =	seq.s32 s10, $0x1;
	s10 =	sld [smem:$0x3FBA]  }
0x3d: {  	_ =	shalt  }
0x3e: {  	_ =	shalt  }
0x3f: {  	_ =	shalt  }
0x40: {  	_ =	shalt  }
0x41: {  	_ =	shalt  }
0x42: {  	_ =	shalt  }
0x43: {  	_ =	shalt  }
0x44: {  	_ =	shalt  }
0x45: {  	_ =	shalt  }
0x46: {  	_ =	shalt  }
0x47: {  	_ =	shalt  }
0x48: {  	_ =	shalt  }
0x49: {  	_ =	shalt  }
0x4a: {  	_ =	shalt  }
0x4b: {  	_ =	shalt  }
0x4c: {  	_ =	shalt  }
0x4d: {  	_ =	shalt  }
0x4e: {  	_ =	shalt  }
0x4f: {  	_ =	shalt  }
0x50: {  	_ =	shalt  }
0x51: {  	_ =	shalt  }
0x52: {  	_ =	shalt  }
0x53: {  	_ =	shalt  }
0x54: {  	_ =	shalt  }
0x55: {  	_ =	shalt  }
0x56: {  	_ =	shalt  }
0x57: {  	_ =	shalt  }
0x58: {  	_ =	shalt  }
0x59: {  	_ =	shalt  }
0x5a: {  	_ =	shalt  }
0x5b: {  	_ =	shalt  }
0x5c: {  	_ =	shalt  }
0x5d: {  	_ =	shalt  }
0x5e: {  	_ =	shalt  }
0x5f: {  	_ =	shalt  }
0x60: {  	_ =	shalt  }
0x61: {  	_ =	shalt  }
0x62: {  	_ =	shalt  }
0x63: {  	_ =	shalt  }
0x64: {  	_ =	shalt  }
0x65: {  	_ =	shalt  }
0x66: {  	_ =	shalt  }
0x67: {  	_ =	shalt  }
0x68: {  	_ =	shalt  }
0x69: {  	_ =	shalt  }
0x6a: {  	_ =	shalt  }
0x6b: {  	_ =	shalt  }
0x6c: {  	_ =	shalt  }
0x6d: {  	_ =	shalt  }
0x6e: {  	_ =	shalt  }
0x6f: {  	_ =	shalt  }
0x70: {  	_ =	shalt  }
0x71: {  	_ =	shalt  }
0x72: {  	_ =	shalt  }
0x73: {  	_ =	shalt  }
0x74: {  	_ =	shalt  }
0x75: {  	_ =	shalt  }
0x76: {  	_ =	shalt  }
0x77: {  	_ =	shalt  }
0x78: {  	_ =	shalt  }
0x79: {  	_ =	shalt  }
0x7a: {  	_ =	shalt  }
0x7b: {  	_ =	shalt  }
0x7c: {  	_ =	shalt  }
0x7d: {  	_ =	shalt  }
0x7e: {  	_ =	shalt  }
0x7f: {  	_ =	shalt  }
0x80: {  	_ =	shalt  }
0x81: {  	_ =	shalt  }
0x82: {  	_ =	shalt  }
0x83: {  	_ =	shalt  }
0x84: {  	_ =	shalt  }
0x85: {  	_ =	shalt  }
0x86: {  	_ =	shalt  }
0x87: {  	_ =	shalt  }
.Lfunc_end0:
.L_simem_size_0:
called_computation.1_lowered:
.L_overlay_start_0:
0x88: {  	s2 =	sld [smem:$0x3FD9]  }
0x89: {  	s3 =	sld [smem:$0x3FFE];
	_ =	sdelay $0x1  }
0x8a: {  	s1 =	srdreg.scid  }
0x8b: {  	s0 =	sand.u32 $0x1, s1  }
0x8c: {  	s17 =	sshll.u32 s0, $0xA;
	s2 =	sadd.s32 s3, s2  }
0x8d: {  	s2 =	sadd.s32 s2, s17  }
0x8e: {  	[smem:$0x3FC6] =	sst s2  }
0x8f: {  	_ = 	snop  }
0x90: {  	s2 =	sld [smem:$0x3FD0];
	(tm) =	ssettm $0x1  }
0x91: {  	s18 =	sld [smem:$0x3FFB];
	_ =	sdelay $0x3  }
0x92: {  	_ =	strace s18  }
0x93: {  	s3 =	sld [smem:$0x3FFC];
	_ =	sdelay $0x3  }
0x94: {  	_ =	strace s3  }
0x95: {  	s3 =	sld [smem:$0x3FFD];
	_ =	sdelay $0x3  }
0x96: {  	_ =	strace s3  }
0x97: {  	_ =	strace $0x8FFFFFFF  }
0x98: {  	s19 =	sld [smem:$0x3FDB];
	_ =	sdelay $0x1  }
0x99: {  	s4 =	simm.s32 $_scs_section_size  }
0x9a: {  	s5 =	simm.s32 $_size__tile_overlayer_lowered;
	s6 =	simm.s32 $_tile_overlayer_lowered  }
0x9b: {  	s22 =	simm.s32 $0x1BFF;
	s21 =	sshll.u32 s6, $0x1;
	s3 =	sadd.s32 s4, s19  }
0x9c: {  	s7 =	simm.s32 $0x0;
	s20 =	sshll.u32 s5, $0x1;
	s5 =	sadd.s32 s21, s3  }
0x9d: {  	[timem:s7], [sflag:s22] =	dma.local [hbm:s5], s20  }
0x9e: {  	_ =	swait.ge [sflag:s22], s20  }
0x9f: {  	s4 =	ssub.s32 $0x0, s20;
	[sflag:s22] =	ssyncset.done $0x0  }
0xa0: {  	[sflag:s22] =	ssyncadd.s32 s4;
	_ =	sdelay $0x1  }
0xa1: {  	s23 =	simm.s32 $0x1B8B  }
0xa2: {  	_ =	swait.ge [sflag:s23], $0x1  }
0xa3: {  	[sflag:s23] =	ssyncset.done $0x0  }
0xa4: {  	s25 =	simm.s32 $0x1B8E;
	s24 =	sld [smem:$0x3FFE];
	[sflag:s23] =	ssyncadd.s32 $0xFFFFFFFF  }
0xa5: {  	s26 =	simm.s32 $execute0_lowered;
	[smem:$0x3FD2] =	sst s25  }
0xa6: {  	s5 =	sshll.u32 s26, $0x1;
	_ =	strace $0x80000046;
	[dreg:$0x1] =	wrdreg $0xFFFFFFFF  }
0xa7: {  	s28 =	simm.s32 $_size_execute0_lowered;
	s3 =	sadd.s32 s3, s5;
	[dreg:$0x0] =	wrdreg $0x0  }
0xa8: {  	s5 =	sshll.u32 s28, $0x1;
	[dreg:$0x2] =	wrdreg s3  }
0xa9: {  	[dreg:$0x3] =	wrdreg s5  }
0xaa: {  	[dreg:$0x4] =	wrdreg $0xC0  }
0xab: {  	_ =	task [dreg:s7], $0x5FFFF  }
0xac: {  	[dreg:$0x1] =	wrdreg $0xFFFFFFFF  }
0xad: {  	[dreg:$0x0] =	wrdreg $0x60  }
0xae: {  	[dreg:$0x2] =	wrdreg s24  }
0xaf: {  	[dreg:$0x3] =	wrdreg s2  }
0xb0: {  	[dreg:$0x4] =	wrdreg $0x9  }
0xb1: {  	_ =	task.clear_ibuf [dreg:s7], $0x5FFFF;
	_ =	strace $0x90000046  }
0xb2: {  	s29 =	simm.s32 $0x9;
	_ =	strace $0x80000048  }
0xb3: {  	_ =	swait.ge [sflag:s29], $0x1  }
0xb4: {  	[sflag:s29] =	ssyncadd.s32 $0xFFFFFFFF  }
0xb5: {  	_ =	strace $0x90000048  }
0xb6: {  	_ =	sfence  }
0xb7: {  	s30 =	sld [smem:$0x0];
	_ =	sdelay $0x2  }
0xb8: {  	s31 =	sshll.u32 s1, $0xD;
	s1 =	sshrl.u32 s1, $0x2  }
0xb9: {  	s3 =	sand.u32 $0x4000, s31;
	s1 =	sadd.s32 s1, s30  }
0xba: {  	s0 =	sor.u32 s3, s0;
	s1 =	sshll.u32 s1, $0x11  }
0xbb: {  	s0 =	sor.u32 s1, s0  }
0xbc: {  	s0 =	sadd.s32 $0x8F2B, s0  }
0xbd: {  	[sflag:s0] =	ssyncadd.remote.s32 $0x1  }
0xbe: {  	_ =	sfence.sel $0xFFFF  }
0xbf: {  	[dreg:$0x0] =	wrdreg $0xFFFFFFFF;
	(pc) =	sbr.abs _section_cstart, $3  }
0xc0: {  	[dreg:$0x1] =	wrdreg $0xFFFFFFFF  }
0xc1: {  	_ =	task.clear_ibuf [dreg:s7], $0x2FFFF;
	_ =	strace $0x9FFFFFFF  }
0xc2: {  	(tm) =	ssettm $0x7FFFFFFF  }
0xc3: {  	_ =	shalt  }
tec
execute0_lowered:
.L_overlay_start_1:
0x0: {  	(tag) =	ssettag $0x1  }
0x1: {  	s0 =	srdreg.scid;
	s7 =	stileid.u32  }
0x2: {  	s0 =	sand.u32 $0x1, s0;
	s2 =	sshll.u32 s7, $0x1;
	s7 =	smul.u32 $0x190, s7  }
0x3: {  	s2 =	sor.u32 s0, s2;
	s12 =	ssub.s32 $0x2, s0;
	s0 =	smul.u32 $0xC8, s0  }
0x4: {  	s1 =	rddreg [dreg:$0x0];
	s3 =	simm.s32 $0x0;
	s5 =	smul.u32 $0xC80, s2  }
0x5: {  	[smem:$0x7FF] =	sst s3;
	s6 =	smul.u32 $0x32000, s2  }
0x6: {  	s9 =	rddreg [dreg:$0x1];
	s4 =	sadd.s32 $0x19800, s1;
	_ =	strace $0x80000047  }
0x7: {  	s0 =	sadd.s32 s0, s7;
	s1 =	sadd.s32 s5, s1;
	s14 =	sadd.s32 s9, s6  }
0x8: {  	s30 =	sshll.u32 s0, $0xA;
	s1 =	sadd.s32 $0x800, s1;
	[dreg:$0xa] =	wrdreg s14  }
0x9: {  	s20 =	sadd.s32 $0x2400, s30;
	[dreg:$0x9] =	wrdreg s1  }
0xa: {  	s2 =	smul.u32 $0x190000, s2;
	s22 =	sadd.s32 $0x2000, s30;
	[dreg:$0x3] =	wrdreg s20  }
0xb: {  	s8 =	sshrl.u32 s12, $0x1;
	s24 =	sor.u32 $0x1800, s30;
	[dreg:$0x4] =	wrdreg s22  }
0xc: {  	s5 =	ssub.s32 s12, s8;
	s26 =	sor.u32 $0x1000, s30;
	[dreg:$0x5] =	wrdreg s24  }
0xd: {  	s29 =	smax.u32 s5, $0x1;
	[dreg:$0x6] =	wrdreg s26  }
0xe: {  	s2 =	sshrl.u32 s2, $0x3;
	s28 =	sor.u32 $0x800, s30;
	[dreg:$0x14] =	wrdreg s29  }
0xf: {  	s13 =	sadd.s32 s9, s2;
	s31 =	sadd.s32 $0x2800, s30;
	[dreg:$0x7] =	wrdreg s28  }
0x10: {  	s15 =	sadd.s32 $0x2FC00, s13;
	[dreg:$0x8] =	wrdreg s31  }
0x11: {  	s11 =	simm.s32 $0xE;
	s16 =	sadd.s32 $0x30000, s13;
	[dreg:$0xb] =	wrdreg s15  }
0x12: {  	s10 =	simm.s32 $0xA;
	s17 =	sadd.s32 $0x30400, s13;
	[dreg:$0xc] =	wrdreg s16  }
0x13: {  	s8 =	simm.s32 $0x1;
	s18 =	sadd.s32 $0x30800, s13;
	[dreg:$0xd] =	wrdreg s17  }
0x14: {  	s12 =	simm.s32 $0x6;
	s19 =	sadd.s32 $0x30C00, s13;
	[dreg:$0xe] =	wrdreg s18  }
0x15: {  	s0 =	simm.s32 $0x0;
	s21 =	sadd.s32 $0x31000, s13;
	[dreg:$0xf] =	wrdreg s19  }
0x16: {  	s14 =	simm.s32 $0x7;
	s23 =	sadd.s32 $0x31400, s13;
	[dreg:$0x10] =	wrdreg s21  }
0x17: {  	s2 =	simm.s32 $0x12;
	s25 =	sadd.s32 $0x31800, s13;
	[dreg:$0x11] =	wrdreg s23  }
0x18: {  	s1 =	sadd.s32 $0x31C00, s13;
	s22 =	simm.s32 $0x6400;
	[dreg:$0x12] =	wrdreg s25  }
0x19: {  	s13 =	simm.s32 $0xF;
	s20 =	simm.s32 $0x13;
	[dreg:$0x13] =	wrdreg s1  }
0x1a: {  	s19 =	simm.s32 $0x80;
	s15 =	simm.s32 $0x10;
	s16 =	simm.s32 $0x8  }
0x1b: {  	s17 =	simm.s32 $0x11;
	s18 =	simm.s32 $0x9;
	s21 =	simm.s32 $0x14  }
.LBB2_1:
0x1c: {  	[dreg:$0x15] =	wrdreg s0  }
0x1d: {  	s1 =	rddreg [dreg:$0x9];
	s6 =	simm.s32 $0x15  }
0x1e: {  	[tilespmem:s3], [sflag:$0x15] =	stream.linear.gather [hbm4b:s1+s3], $0x6400, $0x38;
	[tilespmem:$0x1A400] =	vst v63  }
0x1f: {  	_ =	swait.ge [sflag:s6], $0x6400  }
0x20: {  	[sflag:s6] =	ssyncset.done $0x0  }
0x21: {  	[sflag:s6] =	ssyncadd.s32 $0xFFFF9C00  }
0x22: {  	[tilespmem:s22], [sflag:$0x1] =	stream.indirect.gather [hbm4b:s4+s19], $0x40, s3, s19, $0xb8;
	[tilespmem:$0x1A400] =	vst v63  }
0x23: {  	s0 =	simm.s32 $0x8400  }
0x24: {  	[tilespmem:s0], [sflag:$0x2] =	stream.indirect.gather [hbm4b:s4+s19], $0x40, s19, s19, $0xb8;
	[tilespmem:$0x1A400] =	vst v63  }
0x25: {  	s7 =	simm.s32 $0x100;
	s26 =	simm.s32 $0xA400  }
0x26: {  	[tilespmem:s26], [sflag:$0x3] =	stream.indirect.gather [hbm4b:s4+s19], $0x40, s7, s19, $0xb8;
	[tilespmem:$0x1A400] =	vst v63  }
0x27: {  	s9 =	simm.s32 $0x180;
	s24 =	simm.s32 $0xC400  }
0x28: {  	[tilespmem:s24], [sflag:$0x4] =	stream.indirect.gather [hbm4b:s4+s19], $0x40, s9, s19, $0xb8;
	[tilespmem:$0x1A400] =	vst v63  }
0x29: {  	s23 =	simm.s32 $0x200;
	s28 =	simm.s32 $0xE400  }
0x2a: {  	[tilespmem:s28], [sflag:$0x5] =	stream.indirect.gather [hbm4b:s4+s19], $0x40, s23, s19, $0xb8;
	[tilespmem:$0x1A400] =	vst v63  }
0x2b: {  	s25 =	simm.s32 $0x280;
	s5 =	simm.s32 $0x10400  }
0x2c: {  	[tilespmem:s5], [sflag:$0x6] =	stream.indirect.gather [hbm4b:s4+s19], $0x40, s25, s19, $0xb8;
	[tilespmem:$0x1A400] =	vst v63  }
0x2d: {  	s29 =	simm.s32 $0x300;
	s6 =	simm.s32 $0x12400  }
0x2e: {  	[tilespmem:s6], [sflag:$0x7] =	stream.indirect.gather [hbm4b:s4+s19], $0x40, s29, s19, $0xb8;
	[tilespmem:$0x1A400] =	vst v63  }
0x2f: {  	s31 =	simm.s32 $0x380;
	s7 =	simm.s32 $0x14400  }
0x30: {  	[tilespmem:s7], [sflag:$0x8] =	stream.indirect.gather [hbm4b:s4+s19], $0x40, s31, s19, $0xb8;
	[tilespmem:$0x1A400] =	vst v63  }
0x31: {  	s9 =	simm.s32 $0x400;
	s29 =	simm.s32 $0x16400  }
0x32: {  	[tilespmem:s29], [sflag:$0x9] =	stream.indirect.gather [hbm4b:s4+s19], $0x40, s9, s19, $0xb8;
	[tilespmem:$0x1A400] =	vst v63  }
0x33: {  	_ =	swait.ge [sflag:s8], $0x2000  }
0x34: {  	[sflag:s8] =	ssyncset.done $0x0  }
0x35: {  	s23 =	rddreg [dreg:$0xa];
	[sflag:s8] =	ssyncadd.s32 $0xFFFFE000  }
0x36: {  	[hbm4b:s23+s3] =	stream.linear.scatter [tilespmem:s22], [sflag:$0xB], $0x2000, $0x38;
	[tilespmem:$0x1A400] =	vst v63  }
0x37: {  	s25 =	simm.s32 $0x480;
	s9 =	simm.s32 $0x18400  }
0x38: {  	[tilespmem:s9], [sflag:$0xA] =	stream.indirect.gather [hbm4b:s4+s19], $0x40, s25, s19, $0xb8;
	[tilespmem:$0x1A400] =	vst v63  }
0x39: {  	s25 =	simm.s32 $0x2  }
0x3a: {  	_ =	swait.ge [sflag:s25], $0x2000  }
0x3b: {  	[sflag:s25] =	ssyncset.done $0x0  }
0x3c: {  	s1 =	rddreg [dreg:$0x1]  }
0x3d: {  	s23 =	sadd.s32 s1, s30  }
0x3e: {  	[sflag:s25] =	ssyncadd.s32 $0xFFFFE000;
	s31 =	sadd.s32 $0x400, s23  }
0x3f: {  	[hbm4b:s31+s3] =	stream.linear.scatter [tilespmem:s0], [sflag:$0xC], $0x2000, $0x38;
	[tilespmem:$0x1A400] =	vst v63  }
0x40: {  	s31 =	simm.s32 $0xB  }
0x41: {  	_ =	swait.ge [sflag:s31], $0x2000  }
0x42: {  	[sflag:s31] =	ssyncset.done $0x0  }
0x43: {  	[sflag:s31] =	ssyncadd.s32 $0xFFFFE000;
	s31 =	simm.s32 $0x500  }
0x44: {  	[tilespmem:s22], [sflag:$0x1] =	stream.indirect.gather [hbm4b:s4+s19], $0x40, s31, s19, $0xb8;
	[tilespmem:$0x1A400] =	vst v63  }
0x45: {  	s31 =	simm.s32 $0x3  }
0x46: {  	_ =	swait.ge [sflag:s31], $0x2000  }
0x47: {  	s25 =	rddreg [dreg:$0x7];
	[sflag:s31] =	ssyncset.done $0x0  }
0x48: {  	[sflag:s31] =	ssyncadd.s32 $0xFFFFE000;
	s25 =	sadd.s32 s1, s25;
	s31 =	simm.s32 $0xC  }
0x49: {  	[hbm4b:s25+s3] =	stream.linear.scatter [tilespmem:s26], [sflag:$0xD], $0x2000, $0x38;
	[tilespmem:$0x1A400] =	vst v63  }
0x4a: {  	_ =	swait.ge [sflag:s31], $0x2000  }
0x4b: {  	[sflag:s31] =	ssyncset.done $0x0  }
0x4c: {  	[sflag:s31] =	ssyncadd.s32 $0xFFFFE000;
	s31 =	simm.s32 $0x580  }
0x4d: {  	[tilespmem:s0], [sflag:$0x2] =	stream.indirect.gather [hbm4b:s4+s19], $0x40, s31, s19, $0xb8;
	[tilespmem:$0x1A400] =	vst v63  }
0x4e: {  	s31 =	simm.s32 $0x4  }
0x4f: {  	_ =	swait.ge [sflag:s31], $0x2000  }
0x50: {  	[sflag:s31] =	ssyncset.done $0x0  }
0x51: {  	s0 =	sadd.s32 $0xC00, s23;
	[sflag:s31] =	ssyncadd.s32 $0xFFFFE000;
	s31 =	simm.s32 $0xD  }
0x52: {  	[hbm4b:s0+s3] =	stream.linear.scatter [tilespmem:s24], [sflag:$0xE], $0x2000, $0x38;
	[tilespmem:$0x1A400] =	vst v63  }
0x53: {  	_ =	swait.ge [sflag:s31], $0x2000  }
0x54: {  	[sflag:s31] =	ssyncset.done $0x0  }
0x55: {  	s0 =	simm.s32 $0x600;
	[sflag:s31] =	ssyncadd.s32 $0xFFFFE000  }
0x56: {  	[tilespmem:s26], [sflag:$0x3] =	stream.indirect.gather [hbm4b:s4+s19], $0x40, s0, s19, $0xb8;
	[tilespmem:$0x1A400] =	vst v63  }
0x57: {  	s26 =	simm.s32 $0x5  }
0x58: {  	_ =	swait.ge [sflag:s26], $0x2000  }
0x59: {  	s31 =	rddreg [dreg:$0x6];
	[sflag:s26] =	ssyncset.done $0x0  }
0x5a: {  	[sflag:s26] =	ssyncadd.s32 $0xFFFFE000;
	s25 =	sadd.s32 s1, s31  }
0x5b: {  	[hbm4b:s25+s3] =	stream.linear.scatter [tilespmem:s28], [sflag:$0xF], $0x2000, $0x38;
	[tilespmem:$0x1A400] =	vst v63  }
0x5c: {  	_ =	swait.ge [sflag:s11], $0x2000  }
0x5d: {  	[sflag:s11] =	ssyncset.done $0x0  }
0x5e: {  	s0 =	simm.s32 $0x680;
	[sflag:s11] =	ssyncadd.s32 $0xFFFFE000  }
0x5f: {  	[tilespmem:s24], [sflag:$0x4] =	stream.indirect.gather [hbm4b:s4+s19], $0x40, s0, s19, $0xb8;
	[tilespmem:$0x1A400] =	vst v63  }
0x60: {  	_ =	swait.ge [sflag:s12], $0x2000  }
0x61: {  	[sflag:s12] =	ssyncset.done $0x0  }
0x62: {  	s24 =	sadd.s32 $0x1400, s23;
	[sflag:s12] =	ssyncadd.s32 $0xFFFFE000  }
0x63: {  	[hbm4b:s24+s3] =	stream.linear.scatter [tilespmem:s5], [sflag:$0x10], $0x2000, $0x38;
	[tilespmem:$0x1A400] =	vst v63  }
0x64: {  	_ =	swait.ge [sflag:s13], $0x2000  }
0x65: {  	[sflag:s13] =	ssyncset.done $0x0  }
0x66: {  	s26 =	simm.s32 $0x700;
	[sflag:s13] =	ssyncadd.s32 $0xFFFFE000  }
0x67: {  	[tilespmem:s28], [sflag:$0x5] =	stream.indirect.gather [hbm4b:s4+s19], $0x40, s26, s19, $0xb8;
	[tilespmem:$0x1A400] =	vst v63  }
0x68: {  	_ =	swait.ge [sflag:s14], $0x2000  }
0x69: {  	s31 =	rddreg [dreg:$0x5];
	[sflag:s14] =	ssyncset.done $0x0  }
0x6a: {  	[sflag:s14] =	ssyncadd.s32 $0xFFFFE000;
	s25 =	sadd.s32 s1, s31  }
0x6b: {  	[hbm4b:s25+s3] =	stream.linear.scatter [tilespmem:s6], [sflag:$0x11], $0x2000, $0x38;
	[tilespmem:$0x1A400] =	vst v63  }
0x6c: {  	_ =	swait.ge [sflag:s15], $0x2000  }
0x6d: {  	[sflag:s15] =	ssyncset.done $0x0  }
0x6e: {  	s0 =	simm.s32 $0x780;
	[sflag:s15] =	ssyncadd.s32 $0xFFFFE000  }
0x6f: {  	[tilespmem:s5], [sflag:$0x6] =	stream.indirect.gather [hbm4b:s4+s19], $0x40, s0, s19, $0xb8;
	[tilespmem:$0x1A400] =	vst v63  }
0x70: {  	_ =	swait.ge [sflag:s16], $0x2000  }
0x71: {  	[sflag:s16] =	ssyncset.done $0x0  }
0x72: {  	s23 =	sadd.s32 $0x1C00, s23;
	[sflag:s16] =	ssyncadd.s32 $0xFFFFE000  }
0x73: {  	[hbm4b:s23+s3] =	stream.linear.scatter [tilespmem:s7], [sflag:$0x12], $0x2000, $0x38;
	[tilespmem:$0x1A400] =	vst v63  }
0x74: {  	_ =	swait.ge [sflag:s17], $0x2000  }
0x75: {  	[sflag:s17] =	ssyncset.done $0x0  }
0x76: {  	s5 =	simm.s32 $0x800;
	[sflag:s17] =	ssyncadd.s32 $0xFFFFE000  }
0x77: {  	[tilespmem:s6], [sflag:$0x7] =	stream.indirect.gather [hbm4b:s4+s19], $0x40, s5, s19, $0xb8;
	[tilespmem:$0x1A400] =	vst v63  }
0x78: {  	_ =	swait.ge [sflag:s18], $0x2000  }
0x79: {  	s6 =	rddreg [dreg:$0x4];
	[sflag:s18] =	ssyncset.done $0x0  }
0x7a: {  	[sflag:s18] =	ssyncadd.s32 $0xFFFFE000;
	s23 =	sadd.s32 s1, s6  }
0x7b: {  	[hbm4b:s23+s3] =	stream.linear.scatter [tilespmem:s29], [sflag:$0x13], $0x2000, $0x38;
	[tilespmem:$0x1A400] =	vst v63  }
0x7c: {  	_ =	swait.ge [sflag:s2], $0x2000  }
0x7d: {  	[sflag:s2] =	ssyncset.done $0x0  }
0x7e: {  	s24 =	simm.s32 $0x880;
	[sflag:s2] =	ssyncadd.s32 $0xFFFFE000  }
0x7f: {  	[tilespmem:s7], [sflag:$0x8] =	stream.indirect.gather [hbm4b:s4+s19], $0x40, s24, s19, $0xb8;
	[tilespmem:$0x1A400] =	vst v63  }
0x80: {  	_ =	swait.ge [sflag:s10], $0x2000  }
0x81: {  	s25 =	rddreg [dreg:$0x3];
	[sflag:s10] =	ssyncset.done $0x0  }
0x82: {  	[sflag:s10] =	ssyncadd.s32 $0xFFFFE000;
	s23 =	sadd.s32 s1, s25  }
0x83: {  	[hbm4b:s23+s3] =	stream.linear.scatter [tilespmem:s9], [sflag:$0x14], $0x2000, $0x38;
	[tilespmem:$0x1A400] =	vst v63  }
0x84: {  	_ =	swait.ge [sflag:s20], $0x2000  }
0x85: {  	[sflag:s20] =	ssyncset.done $0x0  }
0x86: {  	s26 =	simm.s32 $0x900;
	[sflag:s20] =	ssyncadd.s32 $0xFFFFE000  }
0x87: {  	[tilespmem:s29], [sflag:$0x9] =	stream.indirect.gather [hbm4b:s4+s19], $0x40, s26, s19, $0xb8;
	[tilespmem:$0x1A400] =	vst v63  }
0x88: {  	_ =	swait.ge [sflag:s8], $0x2000  }
0x89: {  	s31 =	rddreg [dreg:$0x8];
	[sflag:s8] =	ssyncset.done $0x0  }
0x8a: {  	[sflag:s8] =	ssyncadd.s32 $0xFFFFE000;
	s23 =	sadd.s32 s1, s31  }
0x8b: {  	[hbm4b:s23+s3] =	stream.linear.scatter [tilespmem:s22], [sflag:$0xB], $0x2000, $0x38;
	[tilespmem:$0x1A400] =	vst v63  }
0x8c: {  	_ =	swait.ge [sflag:s21], $0x2000  }
0x8d: {  	s28 =	simm.s32 $0x980;
	s25 =	sadd.s32 $0x2800, s1;
	[sflag:s21] =	ssyncset.done $0x0  }
0x8e: {  	s26 =	simm.s32 $0x6400;
	s23 =	simm.s32 $0x1400;
	[sflag:s21] =	ssyncadd.s32 $0xFFFFE000  }
.LBB2_2:
0x8f: {  	s9 =	simm.s32 $0x18400;
	s0 =	simm.s32 $0x2  }
0x90: {  	[tilespmem:s9], [sflag:$0xA] =	stream.indirect.gather [hbm4b:s4+s19], $0x40, s28, s19, $0xb8;
	[tilespmem:$0x1A400] =	vst v63  }
0x91: {  	s22 =	smov.u32 s30;
	_ =	swait.ge [sflag:s0], $0x2000  }
0x92: {  	s30 =	sadd.s32 s25, s30;
	s29 =	simm.s32 $0x8400;
	[sflag:s0] =	ssyncset.done $0x0  }
0x93: {  	s24 =	simm.s32 $0xB;
	s1 =	sadd.s32 $0x400, s30;
	[sflag:s0] =	ssyncadd.s32 $0xFFFFE000  }
0x94: {  	[hbm4b:s1+s3] =	stream.linear.scatter [tilespmem:s29], [sflag:$0xC], $0x2000, $0x38;
	[tilespmem:$0x1A400] =	vst v63  }
0x95: {  	s28 =	smov.u32 s23;
	_ =	swait.ge [sflag:s24], $0x2000  }
0x96: {  	s28 =	sshra.s32 s28, $0x2;
	[sflag:s24] =	ssyncset.done $0x0  }
0x97: {  	s5 =	simm.s32 $0x3;
	s0 =	sadd.s32 $0x500, s28;
	[sflag:s24] =	ssyncadd.s32 $0xFFFFE000  }
0x98: {  	[tilespmem:s26], [sflag:$0x1] =	stream.indirect.gather [hbm4b:s4+s19], $0x40, s0, s19, $0xb8;
	[tilespmem:$0x1A400] =	vst v63  }
0x99: {  	_ =	swait.ge [sflag:s5], $0x2000  }
0x9a: {  	s7 =	simm.s32 $0xC;
	s6 =	rddreg [dreg:$0x7];
	[sflag:s5] =	ssyncset.done $0x0  }
0x9b: {  	s24 =	simm.s32 $0xA400;
	[sflag:s5] =	ssyncadd.s32 $0xFFFFE000;
	s1 =	sadd.s32 s25, s6  }
0x9c: {  	[hbm4b:s1+s3] =	stream.linear.scatter [tilespmem:s24], [sflag:$0xD], $0x2000, $0x38;
	[tilespmem:$0x1A400] =	vst v63  }
0x9d: {  	_ =	swait.ge [sflag:s7], $0x2000  }
0x9e: {  	[sflag:s7] =	ssyncset.done $0x0  }
0x9f: {  	s8 =	sadd.s32 $0x580, s28;
	s5 =	simm.s32 $0x4;
	[sflag:s7] =	ssyncadd.s32 $0xFFFFE000  }
0xa0: {  	[tilespmem:s29], [sflag:$0x2] =	stream.indirect.gather [hbm4b:s4+s19], $0x40, s8, s19, $0xb8;
	[tilespmem:$0x1A400] =	vst v63  }
0xa1: {  	_ =	swait.ge [sflag:s5], $0x2000  }
0xa2: {  	s31 =	simm.s32 $0xC400;
	[sflag:s5] =	ssyncset.done $0x0  }
0xa3: {  	s6 =	sadd.s32 $0xC00, s30;
	s7 =	simm.s32 $0xD;
	[sflag:s5] =	ssyncadd.s32 $0xFFFFE000  }
0xa4: {  	[hbm4b:s6+s3] =	stream.linear.scatter [tilespmem:s31], [sflag:$0xE], $0x2000, $0x38;
	[tilespmem:$0x1A400] =	vst v63  }
0xa5: {  	_ =	swait.ge [sflag:s7], $0x2000  }
0xa6: {  	[sflag:s7] =	ssyncset.done $0x0  }
0xa7: {  	s8 =	sadd.s32 $0x600, s28;
	s5 =	simm.s32 $0x5;
	[sflag:s7] =	ssyncadd.s32 $0xFFFFE000  }
0xa8: {  	[tilespmem:s24], [sflag:$0x3] =	stream.indirect.gather [hbm4b:s4+s19], $0x40, s8, s19, $0xb8;
	[tilespmem:$0x1A400] =	vst v63  }
0xa9: {  	_ =	swait.ge [sflag:s5], $0x2000  }
0xaa: {  	s24 =	rddreg [dreg:$0x6];
	[sflag:s5] =	ssyncset.done $0x0  }
0xab: {  	[sflag:s5] =	ssyncadd.s32 $0xFFFFE000;
	s1 =	sadd.s32 s25, s24;
	s5 =	simm.s32 $0xE400  }
0xac: {  	[hbm4b:s1+s3] =	stream.linear.scatter [tilespmem:s5], [sflag:$0xF], $0x2000, $0x38;
	[tilespmem:$0x1A400] =	vst v63  }
0xad: {  	_ =	swait.ge [sflag:s11], $0x2000  }
0xae: {  	[sflag:s11] =	ssyncset.done $0x0  }
0xaf: {  	s6 =	sadd.s32 $0x680, s28;
	[sflag:s11] =	ssyncadd.s32 $0xFFFFE000  }
0xb0: {  	[tilespmem:s31], [sflag:$0x4] =	stream.indirect.gather [hbm4b:s4+s19], $0x40, s6, s19, $0xb8;
	[tilespmem:$0x1A400] =	vst v63  }
0xb1: {  	_ =	swait.ge [sflag:s12], $0x2000  }
0xb2: {  	[sflag:s12] =	ssyncset.done $0x0  }
0xb3: {  	s7 =	sadd.s32 $0x1400, s30;
	s6 =	simm.s32 $0x10400;
	[sflag:s12] =	ssyncadd.s32 $0xFFFFE000  }
0xb4: {  	[hbm4b:s7+s3] =	stream.linear.scatter [tilespmem:s6], [sflag:$0x10], $0x2000, $0x38;
	[tilespmem:$0x1A400] =	vst v63  }
0xb5: {  	_ =	swait.ge [sflag:s13], $0x2000  }
0xb6: {  	[sflag:s13] =	ssyncset.done $0x0  }
0xb7: {  	s8 =	sadd.s32 $0x700, s28;
	[sflag:s13] =	ssyncadd.s32 $0xFFFFE000  }
0xb8: {  	[tilespmem:s5], [sflag:$0x5] =	stream.indirect.gather [hbm4b:s4+s19], $0x40, s8, s19, $0xb8;
	[tilespmem:$0x1A400] =	vst v63  }
0xb9: {  	_ =	swait.ge [sflag:s14], $0x2000  }
0xba: {  	s7 =	rddreg [dreg:$0x5];
	[sflag:s14] =	ssyncset.done $0x0  }
0xbb: {  	[sflag:s14] =	ssyncadd.s32 $0xFFFFE000;
	s1 =	sadd.s32 s25, s7;
	s7 =	simm.s32 $0x12400  }
0xbc: {  	[hbm4b:s1+s3] =	stream.linear.scatter [tilespmem:s7], [sflag:$0x11], $0x2000, $0x38;
	[tilespmem:$0x1A400] =	vst v63  }
0xbd: {  	_ =	swait.ge [sflag:s15], $0x2000  }
0xbe: {  	[sflag:s15] =	ssyncset.done $0x0  }
0xbf: {  	s8 =	sadd.s32 $0x780, s28;
	[sflag:s15] =	ssyncadd.s32 $0xFFFFE000  }
0xc0: {  	[tilespmem:s6], [sflag:$0x6] =	stream.indirect.gather [hbm4b:s4+s19], $0x40, s8, s19, $0xb8;
	[tilespmem:$0x1A400] =	vst v63  }
0xc1: {  	_ =	swait.ge [sflag:s16], $0x2000  }
0xc2: {  	s6 =	sadd.s32 $0x1C00, s30;
	[sflag:s16] =	ssyncset.done $0x0  }
0xc3: {  	s30 =	smov.u32 s22;
	s22 =	simm.s32 $0x14400;
	[sflag:s16] =	ssyncadd.s32 $0xFFFFE000  }
0xc4: {  	[hbm4b:s6+s3] =	stream.linear.scatter [tilespmem:s22], [sflag:$0x12], $0x2000, $0x38;
	[tilespmem:$0x1A400] =	vst v63  }
0xc5: {  	_ =	swait.ge [sflag:s17], $0x2000  }
0xc6: {  	[sflag:s17] =	ssyncset.done $0x0  }
0xc7: {  	s8 =	sadd.s32 $0x800, s28;
	[sflag:s17] =	ssyncadd.s32 $0xFFFFE000  }
0xc8: {  	[tilespmem:s7], [sflag:$0x7] =	stream.indirect.gather [hbm4b:s4+s19], $0x40, s8, s19, $0xb8;
	[tilespmem:$0x1A400] =	vst v63  }
0xc9: {  	_ =	swait.ge [sflag:s18], $0x2000  }
0xca: {  	s8 =	rddreg [dreg:$0x4];
	[sflag:s18] =	ssyncset.done $0x0  }
0xcb: {  	[sflag:s18] =	ssyncadd.s32 $0xFFFFE000;
	s1 =	sadd.s32 s25, s8;
	s8 =	simm.s32 $0x16400  }
0xcc: {  	[hbm4b:s1+s3] =	stream.linear.scatter [tilespmem:s8], [sflag:$0x13], $0x2000, $0x38;
	[tilespmem:$0x1A400] =	vst v63  }
0xcd: {  	_ =	swait.ge [sflag:s2], $0x2000  }
0xce: {  	[sflag:s2] =	ssyncset.done $0x0  }
0xcf: {  	s1 =	sadd.s32 $0x880, s28;
	[sflag:s2] =	ssyncadd.s32 $0xFFFFE000  }
0xd0: {  	[tilespmem:s22], [sflag:$0x8] =	stream.indirect.gather [hbm4b:s4+s19], $0x40, s1, s19, $0xb8;
	[tilespmem:$0x1A400] =	vst v63  }
0xd1: {  	_ =	swait.ge [sflag:s10], $0x2000  }
0xd2: {  	s22 =	rddreg [dreg:$0x3];
	[sflag:s10] =	ssyncset.done $0x0  }
0xd3: {  	[sflag:s10] =	ssyncadd.s32 $0xFFFFE000;
	s1 =	sadd.s32 s25, s22  }
0xd4: {  	[hbm4b:s1+s3] =	stream.linear.scatter [tilespmem:s9], [sflag:$0x14], $0x2000, $0x38;
	[tilespmem:$0x1A400] =	vst v63  }
0xd5: {  	_ =	swait.ge [sflag:s20], $0x2000  }
0xd6: {  	[sflag:s20] =	ssyncset.done $0x0  }
0xd7: {  	p0 =	sne.s32 s23, $0x16800;
	s9 =	sadd.s32 $0x900, s28;
	[sflag:s20] =	ssyncadd.s32 $0xFFFFE000  }
0xd8: {  	[tilespmem:s8], [sflag:$0x9] =	stream.indirect.gather [hbm4b:s4+s19], $0x40, s9, s19, $0xb8;
	[tilespmem:$0x1A400] =	vst v63  }
0xd9: {  	s23 =	sadd.s32 $0x1400, s23;
	s0 =	simm.s32 $0x8400;
	s8 =	simm.s32 $0x1  }
0xda: {  	s29 =	simm.s32 $0xA400;
	s24 =	simm.s32 $0xC400;
	_ =	swait.ge [sflag:s8], $0x2000  }
0xdb: {  	s31 =	simm.s32 $0xE400;
	s9 =	rddreg [dreg:$0x8];
	[sflag:s8] =	ssyncset.done $0x0  }
.Ltmp0:
0xdc: {  	[sflag:s8] =	ssyncadd.s32 $0xFFFFE000;
	s1 =	sadd.s32 s25, s9;
	(pc) =	sbr.rel @p0 .LBB2_2-.Ltmp0, $4  }
0xdd: {  	[hbm4b:s1+s3] =	stream.linear.scatter [tilespmem:s26], [sflag:$0xB], $0x2000, $0x38;
	[tilespmem:$0x1A400] =	vst v63  }
0xde: {  	s5 =	simm.s32 $0x10400;
	s6 =	simm.s32 $0x12400;
	_ =	swait.ge [sflag:s21], $0x2000  }
0xdf: {  	s7 =	simm.s32 $0x14400;
	s22 =	simm.s32 $0x16400;
	[sflag:s21] =	ssyncset.done $0x0  }
0xe0: {  	s28 =	sadd.s32 $0x980, s28;
	s25 =	sadd.s32 $0x2800, s25;
	[sflag:s21] =	ssyncadd.s32 $0xFFFFE000  }
0xe1: {  	s9 =	simm.s32 $0x18400;
	s1 =	simm.s32 $0x2  }
0xe2: {  	[tilespmem:s9], [sflag:$0xA] =	stream.indirect.gather [hbm4b:s4+s19], $0x40, s28, s19, $0xb8;
	[tilespmem:$0x1A400] =	vst v63  }
0xe3: {  	_ =	swait.ge [sflag:s1], $0x2000  }
0xe4: {  	[sflag:s1] =	ssyncset.done $0x0  }
0xe5: {  	s28 =	rddreg [dreg:$0xb];
	[sflag:s1] =	ssyncadd.s32 $0xFFFFE000;
	s1 =	simm.s32 $0x3  }
0xe6: {  	[hbm4b:s28+s3] =	stream.linear.scatter [tilespmem:s0], [sflag:$0xC], $0x2000, $0x38;
	[tilespmem:$0x1A400] =	vst v63  }
0xe7: {  	_ =	swait.ge [sflag:s1], $0x2000  }
0xe8: {  	[sflag:s1] =	ssyncset.done $0x0  }
0xe9: {  	s25 =	simm.s32 $0x4;
	s23 =	rddreg [dreg:$0xc];
	[sflag:s1] =	ssyncadd.s32 $0xFFFFE000  }
0xea: {  	[hbm4b:s23+s3] =	stream.linear.scatter [tilespmem:s29], [sflag:$0xD], $0x2000, $0x38;
	[tilespmem:$0x1A400] =	vst v63  }
0xeb: {  	_ =	swait.ge [sflag:s25], $0x2000  }
0xec: {  	[sflag:s25] =	ssyncset.done $0x0  }
0xed: {  	s28 =	simm.s32 $0x5;
	s26 =	rddreg [dreg:$0xd];
	[sflag:s25] =	ssyncadd.s32 $0xFFFFE000  }
0xee: {  	[hbm4b:s26+s3] =	stream.linear.scatter [tilespmem:s24], [sflag:$0xE], $0x2000, $0x38;
	[tilespmem:$0x1A400] =	vst v63  }
0xef: {  	_ =	swait.ge [sflag:s28], $0x2000  }
0xf0: {  	[sflag:s28] =	ssyncset.done $0x0  }
0xf1: {  	s29 =	rddreg [dreg:$0xe];
	[sflag:s28] =	ssyncadd.s32 $0xFFFFE000  }
0xf2: {  	[hbm4b:s29+s3] =	stream.linear.scatter [tilespmem:s31], [sflag:$0xF], $0x2000, $0x38;
	[tilespmem:$0x1A400] =	vst v63  }
0xf3: {  	_ =	swait.ge [sflag:s12], $0x2000  }
0xf4: {  	[sflag:s12] =	ssyncset.done $0x0  }
0xf5: {  	s0 =	rddreg [dreg:$0xf];
	[sflag:s12] =	ssyncadd.s32 $0xFFFFE000  }
0xf6: {  	[hbm4b:s0+s3] =	stream.linear.scatter [tilespmem:s5], [sflag:$0x10], $0x2000, $0x38;
	[tilespmem:$0x1A400] =	vst v63  }
0xf7: {  	_ =	swait.ge [sflag:s14], $0x2000  }
0xf8: {  	[sflag:s14] =	ssyncset.done $0x0  }
0xf9: {  	s5 =	rddreg [dreg:$0x10];
	[sflag:s14] =	ssyncadd.s32 $0xFFFFE000  }
0xfa: {  	[hbm4b:s5+s3] =	stream.linear.scatter [tilespmem:s6], [sflag:$0x11], $0x2000, $0x38;
	[tilespmem:$0x1A400] =	vst v63  }
0xfb: {  	_ =	swait.ge [sflag:s16], $0x2000  }
0xfc: {  	[sflag:s16] =	ssyncset.done $0x0  }
0xfd: {  	s6 =	rddreg [dreg:$0x11];
	[sflag:s16] =	ssyncadd.s32 $0xFFFFE000  }
0xfe: {  	[hbm4b:s6+s3] =	stream.linear.scatter [tilespmem:s7], [sflag:$0x12], $0x2000, $0x38;
	[tilespmem:$0x1A400] =	vst v63  }
0xff: {  	_ =	swait.ge [sflag:s18], $0x2000  }
0x100: {  	[sflag:s18] =	ssyncset.done $0x0  }
0x101: {  	s23 =	rddreg [dreg:$0x12];
	[sflag:s18] =	ssyncadd.s32 $0xFFFFE000  }
0x102: {  	[hbm4b:s23+s3] =	stream.linear.scatter [tilespmem:s22], [sflag:$0x13], $0x2000, $0x38;
	[tilespmem:$0x1A400] =	vst v63  }
0x103: {  	_ =	swait.ge [sflag:s10], $0x2000  }
0x104: {  	[sflag:s10] =	ssyncset.done $0x0  }
0x105: {  	s25 =	simm.s32 $0xB;
	s24 =	rddreg [dreg:$0x13];
	[sflag:s10] =	ssyncadd.s32 $0xFFFFE000  }
0x106: {  	[hbm4b:s24+s3] =	stream.linear.scatter [tilespmem:s9], [sflag:$0x14], $0x2000, $0x38;
	[tilespmem:$0x1A400] =	vst v63  }
0x107: {  	_ =	swait.ge [sflag:s25], $0x2000  }
0x108: {  	[sflag:s25] =	ssyncset.done $0x0  }
0x109: {  	s26 =	simm.s32 $0xC;
	[sflag:s25] =	ssyncadd.s32 $0xFFFFE000  }
0x10a: {  	_ =	swait.ge [sflag:s26], $0x2000  }
0x10b: {  	[sflag:s26] =	ssyncset.done $0x0  }
0x10c: {  	s28 =	simm.s32 $0xD;
	[sflag:s26] =	ssyncadd.s32 $0xFFFFE000  }
0x10d: {  	_ =	swait.ge [sflag:s28], $0x2000  }
0x10e: {  	[sflag:s28] =	ssyncset.done $0x0  }
0x10f: {  	[sflag:s28] =	ssyncadd.s32 $0xFFFFE000  }
0x110: {  	_ =	swait.ge [sflag:s11], $0x2000  }
0x111: {  	[sflag:s11] =	ssyncset.done $0x0  }
0x112: {  	[sflag:s11] =	ssyncadd.s32 $0xFFFFE000  }
0x113: {  	_ =	swait.ge [sflag:s13], $0x2000  }
0x114: {  	[sflag:s13] =	ssyncset.done $0x0  }
0x115: {  	[sflag:s13] =	ssyncadd.s32 $0xFFFFE000  }
0x116: {  	_ =	swait.ge [sflag:s15], $0x2000  }
0x117: {  	[sflag:s15] =	ssyncset.done $0x0  }
0x118: {  	[sflag:s15] =	ssyncadd.s32 $0xFFFFE000  }
0x119: {  	_ =	swait.ge [sflag:s17], $0x2000  }
0x11a: {  	[sflag:s17] =	ssyncset.done $0x0  }
0x11b: {  	[sflag:s17] =	ssyncadd.s32 $0xFFFFE000  }
0x11c: {  	_ =	swait.ge [sflag:s2], $0x2000  }
0x11d: {  	[sflag:s2] =	ssyncset.done $0x0  }
0x11e: {  	[sflag:s2] =	ssyncadd.s32 $0xFFFFE000  }
0x11f: {  	_ =	swait.ge [sflag:s20], $0x2000  }
0x120: {  	[sflag:s20] =	ssyncset.done $0x0  }
0x121: {  	[sflag:s20] =	ssyncadd.s32 $0xFFFFE000  }
0x122: {  	_ =	swait.ge [sflag:s21], $0x2000  }
0x123: {  	s29 =	rddreg [dreg:$0x15]  }
0x124: {  	s31 =	rddreg [dreg:$0x14];
	s0 =	sadd.s32 $0x1, s29  }
0x125: {  	p0 =	sne.s32 s0, s31  }
.Ltmp1:
0x126: {  	_ = 	snop;
	(pc) =	sbr.rel @p0 .LBB2_1-.Ltmp1, $3  }
0x127: {  	_ =	sdelay $0x1  }
0x128: {  	[sflag:s21] =	ssyncset.done $0x0  }
0x129: {  	s22 =	simm.s32 $0x6400;
	[sflag:s21] =	ssyncadd.s32 $0xFFFFE000  }
0x12a: {  	_ =	sfence.sel $0x180000  }
0x12b: {  	[bflag:$0x0] =	sbarrier.arrive $0xFFFF  }
0x12c: {  	_ =	strace $0x90000047  }
0x12d: {  	s0 =	stileid.u32;
	[bflag:$0x2] =	sbarrier.arrive $0xFFFF  }
0x12e: {  	p0 =	sne.s32 s0, $0x0;
	s0 =	rddreg [dreg:$0x2]  }
0x12f: {  	s0 =	sadd.s32 @!p0 $0x100000, s0  }
0x130: {  	[sflag:s0] =	ssyncadd.tile.s32 @!p0 $0x1;
	_ =	shalt  }
.Lfunc_end2:
_tile_overlayer_lowered:
.L_overlay_start_2:
0x131: {  	(tag) =	ssettag $0x2  }
0x132: {  	s0 =	rddreg [dreg:$0x0];
	s2 =	stileid.u32  }
0x133: {  	s1 =	rddreg [dreg:$0x1];
	p0 =	sne.s32 s2, $0x0  }
0x134: {  	s3 =	rddreg [dreg:$0x2];
	[bflag:$0x3] =	sbarrier.arrive $0xFFFF;
	s2 =	simm.s32 @!p0 $0x1C15  }
0x135: {  	[timem:s3], [sflag:s2] =	dma.local @!p0 [hbm:s0], s1  }
0x136: {  	s0 =	simm.s32 @!p0 $0x15  }
0x137: {  	_ =	swait.ge @!p0 [sflag:s0], s1  }
0x138: {  	s1 =	ssub.s32 @!p0 $0x0, s1;
	[sflag:s0] =	ssyncset.done @!p0 $0x0  }
0x139: {  	[sflag:s0] =	ssyncadd.s32 @!p0 s1  }
0x13a: {  	[bflag:$0x3] =	sbarrier.arrive $0xFFFF  }
0x13b: {  	_ =	shalt  }

// kernel: sparse-core-data-format-call.cloned.1.call-start
scs
called_computation_lowered:
.L_overlay_start_0:
0x0: {  	s2 =	sld [smem:$0x3FD9]  }
0x1: {  	s3 =	sld [smem:$0x3FFE];
	_ =	sdelay $0x1  }
0x2: {  	s1 =	srdreg.scid  }
0x3: {  	s0 =	sand.u32 $0x1, s1  }
0x4: {  	s18 =	sshll.u32 s0, $0xA;
	s2 =	sadd.s32 s3, s2  }
0x5: {  	s2 =	sadd.s32 s2, s18  }
0x6: {  	[smem:$0x3FC6] =	sst s2  }
0x7: {  	_ = 	snop  }
0x8: {  	s2 =	sld [smem:$0x3FD0];
	(tm) =	ssettm $0x1  }
0x9: {  	s19 =	sld [smem:$0x3FFB];
	_ =	sdelay $0x3  }
0xa: {  	_ =	strace s19  }
0xb: {  	s3 =	sld [smem:$0x3FFC];
	_ =	sdelay $0x3  }
0xc: {  	_ =	strace s3  }
0xd: {  	s3 =	sld [smem:$0x3FFD];
	_ =	sdelay $0x3  }
0xe: {  	_ =	strace s3  }
0xf: {  	_ =	strace $0x8FFFFFFF  }
0x10: {  	s20 =	sld [smem:$0x3FDB];
	_ =	sdelay $0x1  }
0x11: {  	s4 =	simm.s32 $_scs_section_size  }
0x12: {  	s5 =	simm.s32 $_size__tile_overlayer_lowered;
	s6 =	simm.s32 $_tile_overlayer_lowered  }
0x13: {  	s23 =	simm.s32 $0x1BFF;
	s22 =	sshll.u32 s6, $0x1;
	s3 =	sadd.s32 s4, s20  }
0x14: {  	s7 =	simm.s32 $0x0;
	s21 =	sshll.u32 s5, $0x1;
	s5 =	sadd.s32 s22, s3  }
0x15: {  	[timem:s7], [sflag:s23] =	dma.local [hbm:s5], s21  }
0x16: {  	_ =	swait.ge [sflag:s23], s21  }
0x17: {  	s4 =	ssub.s32 $0x0, s21;
	[sflag:s23] =	ssyncset.done $0x0  }
0x18: {  	[sflag:s23] =	ssyncadd.s32 s4;
	_ =	sdelay $0x1  }
0x19: {  	s24 =	simm.s32 $0x1B8B  }
0x1a: {  	_ =	swait.ge [sflag:s24], $0x1  }
0x1b: {  	[sflag:s24] =	ssyncset.done $0x0  }
0x1c: {  	s26 =	simm.s32 $0x1B8E;
	s25 =	sld [smem:$0x3FFE];
	[sflag:s24] =	ssyncadd.s32 $0xFFFFFFFF  }
0x1d: {  	s27 =	simm.s32 $execute0_lowered;
	[smem:$0x3FD2] =	sst s26  }
0x1e: {  	s5 =	sshll.u32 s27, $0x1;
	_ =	strace $0x80000049;
	[dreg:$0x1] =	wrdreg $0xFFFFFFFF  }
0x1f: {  	s28 =	simm.s32 $_size_execute0_lowered;
	s3 =	sadd.s32 s3, s5;
	[dreg:$0x0] =	wrdreg $0x0  }
0x20: {  	s5 =	sshll.u32 s28, $0x1;
	[dreg:$0x2] =	wrdreg s3  }
0x21: {  	[dreg:$0x3] =	wrdreg s5  }
0x22: {  	[dreg:$0x4] =	wrdreg $0xC0  }
0x23: {  	_ =	task [dreg:s7], $0x5FFFF  }
0x24: {  	[dreg:$0x1] =	wrdreg $0xFFFFFFFF  }
0x25: {  	[dreg:$0x0] =	wrdreg $0x60  }
0x26: {  	[dreg:$0x2] =	wrdreg s25  }
0x27: {  	[dreg:$0x3] =	wrdreg s2  }
0x28: {  	[dreg:$0x4] =	wrdreg $0x9  }
0x29: {  	_ =	task.clear_ibuf [dreg:s7], $0x5FFFF;
	_ =	strace $0x90000049  }
0x2a: {  	s29 =	simm.s32 $0x9;
	_ =	strace $0x8000004B  }
0x2b: {  	_ =	swait.ge [sflag:s29], $0x1  }
0x2c: {  	[sflag:s29] =	ssyncadd.s32 $0xFFFFFFFF  }
0x2d: {  	_ =	strace $0x9000004B  }
0x2e: {  	_ =	sfence  }
0x2f: {  	s30 =	sld [smem:$0x0];
	_ =	sdelay $0x2  }
0x30: {  	s31 =	sshll.u32 s1, $0xD;
	s1 =	sshrl.u32 s1, $0x2  }
0x31: {  	s3 =	sand.u32 $0x4000, s31;
	s1 =	sadd.s32 s1, s30  }
0x32: {  	s0 =	sor.u32 s3, s0;
	s1 =	sshll.u32 s1, $0x11  }
0x33: {  	s0 =	sor.u32 s1, s0  }
0x34: {  	s0 =	sadd.s32 $0x8F2B, s0  }
0x35: {  	[sflag:s0] =	ssyncadd.remote.s32 $0x1  }
0x36: {  	_ =	sfence.sel $0xFFFF  }
0x37: {  	[dreg:$0x0] =	wrdreg $0xFFFFFFFF;
	(pc) =	sbr.abs _section_cstart, $3  }
0x38: {  	[dreg:$0x1] =	wrdreg $0xFFFFFFFF  }
0x39: {  	_ =	task.clear_ibuf [dreg:s7], $0x2FFFF;
	_ =	strace $0x9FFFFFFF  }
0x3a: {  	(tm) =	ssettm $0x7FFFFFFF  }
0x3b: {  	_ =	shalt  }
tec
execute0_lowered:
.L_overlay_start_1:
0x0: {  	(tag) =	ssettag $0x1  }
0x1: {  	s0 =	srdreg.scid  }
0x2: {  	s1 =	sshll.u32 s0, $0x4  }
0x3: {  	s0 =	stileid.u32;
	s1 =	sand.u32 $0x10, s1  }
0x4: {  	s1 =	sor.u32 s0, s1  }
0x5: {  	s6 =	rddreg [dreg:$0x0];
	s4 =	simm.s32 $0x1;
	s2 =	sshll.u32 s1, $0x7  }
0x6: {  	s7 =	simm.s32 $0x2;
	s12 =	simm.s32 $0x0;
	s1 =	ssub.s32 $0x1000, s2  }
0x7: {  	s8 =	simm.s32 $0x8000;
	s13 =	simm.s32 $0x0;
	s3 =	sand.u32 $0xF80, s1  }
0x8: {  	s9 =	simm.s32 $0x0;
	s5 =	sshrl.u32 s1, $0xC;
	p0 =	sne.s32 s3, $0x0  }
.Ltmp0:
0x9: {  	s1 =	rddreg [dreg:$0x2];
	s4 =	simm.s32 @!p0 $0x0;
	(pc) =	sbr.rel .LBB1_1-.Ltmp0, $4  }
0xa: {  	s11 =	simm.s32 $0x0;
	s3 =	rddreg [dreg:$0x1];
	s5 =	sadd.s32 s4, s5  }
0xb: {  	_ =	strace $0x8000004A;
	s4 =	simm.s32 $0x1;
	s5 =	smul.u32 $0xC8, s5  }
0xc: {  	s6 =	sadd.s32 $0x800, s6;
	s10 =	smov.u32 s2;
	[sflag:s4] =	ssyncpa.u1 $0x0  }
0xd: {  	p0 =	por $0x0, $0x0;
	[sflag:s7] =	ssyncpa.u1 $0x0;
	s7 =	sor.u32 $0x1, s5  }
.LBB1_4:
0xe: {  	s16 =	sshll.u32 s13, $0x3;
	s17 =	sand.u32 $0x78, s13  }
0xf: {  	s30 =	sand.u32 $0x7E00, s13;
	s12 =	sshll.u32 s12, $0xF;
	s16 =	sand.u32 $0xC00, s16  }
0x10: {  	[tilespmem:s15+$0x810 ss:$0x81] =	vst.msk $0xffff, v2;
	s31 =	sand.u32 $0x7, s13;
	s16 =	sor.u32 s17, s16;
	s17 =	sadd.s32 s3, s30  }
0x11: {  	[tilespmem:s15+$0x1020 ss:$0x81] =	vst.msk $0xffff, v0;
	s13 =	sshll.u32 s31, $0x12;
	s12 =	sadd.s32 s12, s17;
	s16 =	sshrl.u32 s16, $0x3  }
0x12: {  	[tilespmem:s15+$0x0 ss:$0x81] =	vst.msk $0xffff, v1;
	s13 =	sor.u32 $0x400, s13;
	s12 =	sadd.s32 s16, s12  }
0x13: {  	[hbm4b:s12+s13] =	stream.strided.scatter [tilespmem:s14], [sflag:$0x2], $0x2000, s8, s13, $0x20;
	[tilespmem:$0x8080] =	vst v63  }
.LBB1_5:
0x14: {  	s14 =	sadd.s32 $0x1, s9  }
0x15: {  	s12 =	sadd.s32 $0x1000, s10;
	s16 =	smov.u32 s10;
	p2 =	sgt.s32 s14, $0xC7  }
0x16: {  	s16 =	smov.u32 @p2 s12  }
0x17: {  	s14 =	simm.s32 @p2 $0x0;
	p2 =	sgt.s32 s16, $0xFFF  }
0x18: {  	s16 =	smov.u32 @p2 s2;
	p2 =	sne.s32 s11, s7  }
.Ltmp1:
0x19: {  	p1 =	slt.u32 s11, $0x2;
	(pc) =	sbr.rel @!p2 .LBB1_6-.Ltmp1, $4  }
0x1a: {  	s15 =	simm.s32 @!p1 $0x2  }
0x1b: {  	s13 =	smov.u32 s10;
	p0 =	por !p0, !p0;
	_ =	swait.ge @!p1 [sflag:s15], $0x2000  }
0x1c: {  	s12 =	smov.u32 s9;
	[sflag:s15] =	ssyncset.done @!p1 $0x0;
	s9 =	smov.u32 s14  }
0x1d: {  	s11 =	sadd.s32 $0x1, s11;
	[sflag:s15] =	ssyncadd.s32 @!p1 $0xFFFFE000;
	s10 =	smov.u32 s16  }
.LBB1_1:
0x1e: {  	p1 =	sge.u32 s11, s5  }
0x1f: {  	s14 =	sand.u32 @!p1 $0x1FFFFFF, s9  }
0x20: {  	s15 =	smulhi.u32 @!p1 $0x147AE15, s14;
	_ =	sdelay $0x1  }
0x21: {  	s15 =	smul.u32 @!p1 $0xC8, s15  }
0x22: {  	s16 =	sxor.u32 @!p1 $0xFFFFFFFF, s11;
	s17 =	smul.u32 @!p1 $0xC80, s10  }
0x23: {  	s31 =	sadd.s32 $0xFFFFFFFF, s11;
	s16 =	sshll.u32 @!p1 s16, $0xD;
	s14 =	ssub.s32 @!p1 s14, s15  }
0x24: {  	s15 =	sand.u32 @!p1 $0x2000, s16;
	s16 =	sadd.s32 @!p1 s6, s17;
	s14 =	sshll.u32 @!p1 s14, $0x4  }
0x25: {  	s17 =	simm.s32 @!p1 $0x6400;
	s14 =	sadd.s32 @!p1 s14, s16;
	s16 =	simm.s32 @!p1 $0x40  }
0x26: {  	[tilespmem:s15], [sflag:$0x1] =	stream.strided.gather @!p1 [hbm4b:s14+s16], $0x2000, s17, s16, $0x38;
	[tilespmem:$0x8080] =	vst v63  }
0x27: {  	p1 =	sge.u32 s31, s5  }
.Ltmp2:
0x28: {  	_ = 	snop;
	(pc) =	sbr.rel @p1 .LBB1_5-.Ltmp2, $1  }
0x29: {  	_ =	sdelay $0x3  }
0x2a: {  	s14 =	simm.s32 $0x1  }
0x2b: {  	_ =	swait.ge [sflag:s4], $0x2000;
	s14 =	simm.s32 @!p0 $0x0  }
0x2c: {  	[sflag:s4] =	ssyncset.done $0x0;
	s15 =	sshll.u32 s14, $0xD  }
0x2d: {  	[sflag:s4] =	ssyncadd.s32 $0xFFFFE000;
	s18 =	sor.u32 $0x20, s15  }
0x2e: {  	s14 =	smul.u32 $0x8100, s14;
	v3 =	vld [tilespmem:s18+$0x10]  }
0x2f: {  	s30 =	sand.u32 $0x1, s11;
	v2 =	vld [tilespmem:s18+$0xFFFFFFF0]  }
0x30: {  	s15 =	smul.u32 $0x8100, s30;
	s14 =	sshrl.u32 s14, $0x2;
	v0 =	vld [tilespmem:s18+$0x0]  }
0x31: {  	v1 =	vld [tilespmem:s18+$0xFFFFFFE0];
	s16 =	sor.u32 $0x4000, s14  }
0x32: {  	s31 =	sshrl.u32 s15, $0x2;
	s15 =	sadd.s32 $0x0, s16  }
0x33: {  	s17 =	simm.s32 $0x4;
	s18 =	sadd.s32 $0x40, s18;
	s14 =	sor.u32 $0x4000, s31;
	[tilespmem:s15+$0x1830 ss:$0x81] =	vst.msk $0xffff, v3  }
.LBB1_3:
0x34: {  	v3 =	vld [tilespmem:s18+$0x10];
	p1 =	sne.s32 s17, $0x1FC;
	[tilespmem:s15+$0x810 ss:$0x81] =	vst.msk $0xffff, v2;
	s19 =	smov.u32 s17;
	s17 =	sadd.s32 $0x4, s17  }
.Ltmp3:
0x35: {  	v2 =	vld [tilespmem:s18+$0xFFFFFFF0];
	[tilespmem:s15+$0x1020 ss:$0x81] =	vst.msk $0xffff, v0;
	(pc) =	sbr.rel @p1 .LBB1_3-.Ltmp3, $4  }
0x36: {  	v0 =	vld [tilespmem:s18+$0x0];
	[tilespmem:s15+$0x0 ss:$0x81] =	vst.msk $0xffff, v1  }
0x37: {  	s15 =	sshra.s32 s19, $0x2;
	v1 =	vld [tilespmem:s18+$0xFFFFFFE0]  }
0x38: {  	s15 =	sadd.s32 s15, s16  }
0x39: {  	s18 =	sadd.s32 $0x40, s18;
	[tilespmem:s15+$0x1830 ss:$0x81] =	vst.msk $0xffff, v3  }
.Ltmp4:
0x3a: {  	_ = 	snop;
	(pc) =	sbr.rel .LBB1_4-.Ltmp4, $1  }
0x3b: {  	_ =	sdelay $0x3  }
.LBB1_6:
0x3c: {  	_ =	sfence.sel $0x180000  }
0x3d: {  	s2 =	simm.s32 $0x1;
	[bflag:$0x0] =	sbarrier.arrive $0xFFFF  }
0x3e: {  	s31 =	simm.s32 $0x2;
	[sflag:s2] =	ssyncpa.u1 $0x1  }
0x3f: {  	[sflag:s31] =	ssyncpa.u1 $0x1  }
0x40: {  	p0 =	sne.s32 s0, $0x0;
	_ =	strace $0x9000004A  }
0x41: {  	s0 =	sadd.s32 @!p0 $0x100000, s1;
	[bflag:$0x2] =	sbarrier.arrive $0xFFFF  }
0x42: {  	[sflag:s0] =	ssyncadd.tile.s32 @!p0 $0x1;
	_ =	shalt  }
.Lfunc_end1:
_tile_overlayer_lowered:
.L_overlay_start_2:
0x43: {  	(tag) =	ssettag $0x2  }
0x44: {  	s0 =	rddreg [dreg:$0x0];
	s2 =	stileid.u32  }
0x45: {  	s1 =	rddreg [dreg:$0x1];
	p0 =	sne.s32 s2, $0x0  }
0x46: {  	s3 =	rddreg [dreg:$0x2];
	[bflag:$0x3] =	sbarrier.arrive $0xFFFF;
	s2 =	simm.s32 @!p0 $0x1C01  }
0x47: {  	[timem:s3], [sflag:s2] =	dma.local @!p0 [hbm:s0], s1  }
0x48: {  	s0 =	simm.s32 @!p0 $0x1  }
0x49: {  	_ =	swait.ge @!p0 [sflag:s0], s1  }
0x4a: {  	s1 =	ssub.s32 @!p0 $0x0, s1;
	[sflag:s0] =	ssyncset.done @!p0 $0x0  }
0x4b: {  	[sflag:s0] =	ssyncadd.s32 @!p0 s1  }
0x4c: {  	[bflag:$0x3] =	sbarrier.arrive $0xFFFF  }
0x4d: {  	_ =	shalt  }

</sc_bundles>
